<compile_context>
chip_gen: v7x
topology: tpu7x:2x2x1
jax: 0.10.2.dev20260603
libtpu: 0.0.44.dev20260713+nightly
codegen_flags: <defaults>
</compile_context>

<pallas_src>
import functools

import jax
import jax.numpy as jnp
from jax import lax
from jax.experimental import pallas as pl
from jax.experimental.pallas import tpu as pltpu
from jax.experimental.pallas import tpu_sc as plsc

NUM_CORES = 2
NUM_SUBCORES = 16
LANES = 16
NUM_WORKERS = NUM_CORES * NUM_SUBCORES

BATCH = 4096
N_A = 3072
N_B = 2048
N_OUT = 3584

ROWS_PER_WORKER = BATCH // NUM_WORKERS
CHUNK_R = 4
NUM_CHUNKS = ROWS_PER_WORKER // CHUNK_R
N_J = N_OUT // LANES


def _sc_gather(a, b, ia, ib, wa, wb):
    mesh = plsc.VectorSubcoreMesh(
        core_axis_name="c", subcore_axis_name="s",
        num_cores=NUM_CORES, num_subcores=NUM_SUBCORES)

    @functools.partial(
        pl.kernel,
        out_type=jax.ShapeDtypeStruct((BATCH, N_OUT), jnp.float32),
        mesh=mesh,
        compiler_params=pltpu.CompilerParams(needs_layout_passes=False),
        scratch_types=[
            pltpu.VMEM((N_OUT,), jnp.int32),
            pltpu.VMEM((N_OUT,), jnp.int32),
            pltpu.VMEM((N_OUT,), jnp.float32),
            pltpu.VMEM((N_OUT,), jnp.float32),
            pltpu.VMEM((CHUNK_R, N_A), jnp.float32),
            pltpu.VMEM((CHUNK_R, N_A), jnp.float32),
            pltpu.VMEM((CHUNK_R, N_B), jnp.float32),
            pltpu.VMEM((CHUNK_R, N_B), jnp.float32),
            pltpu.VMEM((CHUNK_R, N_OUT), jnp.float32),
            pltpu.VMEM((CHUNK_R, N_OUT), jnp.float32),
            pltpu.SemaphoreType.DMA,
            pltpu.SemaphoreType.DMA,
            pltpu.SemaphoreType.DMA,
            pltpu.SemaphoreType.DMA,
            pltpu.SemaphoreType.DMA,
            pltpu.SemaphoreType.DMA,
        ],
    )
    def k(a_hbm, b_hbm, ia_hbm, ib_hbm, wa_hbm, wb_hbm, out_hbm,
          ia_v, ib_v, wa_v, wb_v,
          a_v0, a_v1, b_v0, b_v1, o_v0, o_v1,
          sa0, sa1, sb0, sb1, so0, so1):
        a_bufs, b_bufs, o_bufs = (a_v0, a_v1), (b_v0, b_v1), (o_v0, o_v1)
        sa, sb, so = (sa0, sa1), (sb0, sb1), (so0, so1)

        wid = lax.axis_index("s") * NUM_CORES + lax.axis_index("c")
        row0 = wid * ROWS_PER_WORKER
        pltpu.sync_copy(ia_hbm, ia_v)
        pltpu.sync_copy(ib_hbm, ib_v)
        pltpu.sync_copy(wa_hbm, wa_v)
        pltpu.sync_copy(wb_hbm, wb_v)

        def start_in(kc, p):
            r0 = row0 + kc * CHUNK_R
            pltpu.async_copy(a_hbm.at[pl.ds(r0, CHUNK_R), :], a_bufs[p], sa[p])
            pltpu.async_copy(b_hbm.at[pl.ds(r0, CHUNK_R), :], b_bufs[p], sb[p])

        def wait_in(p):
            pltpu.make_async_copy(
                a_hbm.at[pl.ds(0, CHUNK_R), :], a_bufs[p], sa[p]).wait()
            pltpu.make_async_copy(
                b_hbm.at[pl.ds(0, CHUNK_R), :], b_bufs[p], sb[p]).wait()

        def wait_out(p):
            pltpu.make_async_copy(
                o_bufs[p], out_hbm.at[pl.ds(0, CHUNK_R), :], so[p]).wait()

        start_in(0, 0)
        start_in(1, 1)

        def pair_body(kp, _):
            for p in range(2):
                kc = kp * 2 + p
                wait_in(p)

                @pl.when(kp > 0)
                def _():
                    wait_out(p)

                o_v = o_bufs[p]
                a_v = a_bufs[p]
                b_v = b_bufs[p]

                def j_body(j, _):
                    c0 = j * LANES
                    iav = ia_v[pl.ds(c0, LANES)]
                    ibv = ib_v[pl.ds(c0, LANES)]
                    wav = wa_v[pl.ds(c0, LANES)]
                    wbv = wb_v[pl.ds(c0, LANES)]
                    for r in range(CHUNK_R):
                        rvec = jnp.full((LANES,), r, jnp.int32)
                        va = plsc.load_gather(a_v, [rvec, iav])
                        vb = plsc.load_gather(b_v, [rvec, ibv])
                        o_v[r, pl.ds(c0, LANES)] = va * wav + vb * wbv
                    return 0

                lax.fori_loop(0, N_J, j_body, 0, unroll=2)

                kn = jnp.where(kc + 2 < NUM_CHUNKS, kc + 2, kc)
                start_in(kn, p)

                r0 = row0 + kc * CHUNK_R
                pltpu.async_copy(o_v, out_hbm.at[pl.ds(r0, CHUNK_R), :], so[p])
            return 0

        lax.fori_loop(0, NUM_CHUNKS // 2, pair_body, 0)

        for p in range(2):
            wait_in(p)
            wait_out(p)

    return k(a, b, ia, ib, wa, wb)


def kernel(a, b, channels_a, channels_b, channels_out):
    ch_a = channels_a.astype(jnp.int32)
    ch_b = channels_b.astype(jnp.int32)
    ch_out = channels_out.astype(jnp.int32)

    co = ch_out[:, None]
    pa = jnp.sum((ch_a[None, :] < co).astype(jnp.int32), axis=1)
    in_a = jnp.any(ch_a[None, :] == co, axis=1)
    pb = jnp.sum((ch_b[None, :] < co).astype(jnp.int32), axis=1)
    in_b = jnp.any(ch_b[None, :] == co, axis=1)

    ia = jnp.where(in_a, pa, 0).astype(jnp.int32)
    ib = jnp.where(in_b, pb, 0).astype(jnp.int32)
    wa = in_a.astype(jnp.float32)
    wb = in_b.astype(jnp.float32)
    return _sc_gather(a, b, ia, ib, wa, wb)

# --- scband reference (transcript-rebuilt; emitter-appended) ---
"""Pipeline reference for scband-masked-binary-math-operation-79912161509638 (READ-ONLY COPY).

The authoritative reference and input builder live on the scoring server;
editing this copy changes nothing except your own understanding.
"""

import jax, jax.numpy as jnp
import numpy as np

C = 4096
BATCH = 4096
N_A = 3072
N_B = 2048
N_OUT = 3584


def _make_channels():
    # Mirrors NNI-style convert_to_coarse_mask: masks are built by setting 1.0 at a
    # deterministic random subset of channels, and the coarse mask is the sorted
    # index set of the kept (nonzero) channels. All three draws share one rng so
    # the index sets are reproducible and distinct.
    rng = np.random.default_rng(0)
    ch_a = np.sort(rng.choice(C, N_A, replace=False)).astype(np.int64)
    ch_b = np.sort(rng.choice(C, N_B, replace=False)).astype(np.int64)
    ch_out = np.sort(rng.choice(C, N_OUT, replace=False)).astype(np.int64)
    return ch_a, ch_b, ch_out


def setup_inputs(seed: int = 0) -> dict:
    key = jax.random.key(seed)
    k1, k2 = jax.random.split(key)
    ch_a, ch_b, ch_out = _make_channels()
    a = jax.random.normal(k1, (BATCH, N_A), dtype=jnp.float32)
    b = jax.random.normal(k2, (BATCH, N_B), dtype=jnp.float32)
    return {
        "a": a,
        "b": b,
        "channels_a": jnp.asarray(ch_a),
        "channels_b": jnp.asarray(ch_b),
        "channels_out": jnp.asarray(ch_out),
    }


def reference(a, b, channels_a, channels_b, channels_out):
    # initializer = zeros because math_operation is add
    res = jnp.zeros((a.shape[0], C), dtype=a.dtype)
    # operation_result[:, channels_a] = a  -> scatter-overwrite
    res = res.at[:, channels_a].set(a)
    # operation_result[:, channels_b] = add(operation_result[:, channels_b], b)
    # channels_b indices are unique, so gather+add+scatter-set == scatter-add
    res = res.at[:, channels_b].add(b)
    # return operation_result[:, channels_out]  -> gather
    return res[:, channels_out]

if __name__ == "__main__":
    import jax
    _d = setup_inputs()
    print(jax.jit(kernel)(*tuple(_d.values())))

</pallas_src>

<mosaic_0001>
#map = affine_map<(d0, d1) -> (0, 0)>
#map1 = affine_map<(d0, d1) -> (0)>
module attributes {stable_mosaic.version = 14 : i64} {
  func.func @k(%arg0: i32, %arg1: i32, %arg2: memref<4096x3072xf32, #tpu.memory_space<hbm>>, %arg3: memref<4096x2048xf32, #tpu.memory_space<hbm>>, %arg4: memref<3584xi32, #tpu.memory_space<hbm>>, %arg5: memref<3584xi32, #tpu.memory_space<hbm>>, %arg6: memref<3584xf32, #tpu.memory_space<hbm>>, %arg7: memref<3584xf32, #tpu.memory_space<hbm>>, %arg8: memref<4096x3584xf32, #tpu.memory_space<hbm>>, %arg9: memref<3584xi32, #tpu.memory_space<vmem>>, %arg10: memref<3584xi32, #tpu.memory_space<vmem>>, %arg11: memref<3584xf32, #tpu.memory_space<vmem>>, %arg12: memref<3584xf32, #tpu.memory_space<vmem>>, %arg13: memref<4x3072xf32, #tpu.memory_space<vmem>>, %arg14: memref<4x3072xf32, #tpu.memory_space<vmem>>, %arg15: memref<4x2048xf32, #tpu.memory_space<vmem>>, %arg16: memref<4x2048xf32, #tpu.memory_space<vmem>>, %arg17: memref<4x3584xf32, #tpu.memory_space<vmem>>, %arg18: memref<4x3584xf32, #tpu.memory_space<vmem>>, %arg19: memref<!tpu.dma_semaphore, #tpu.memory_space<semaphore_mem>>, %arg20: memref<!tpu.dma_semaphore, #tpu.memory_space<semaphore_mem>>, %arg21: memref<!tpu.dma_semaphore, #tpu.memory_space<semaphore_mem>>, %arg22: memref<!tpu.dma_semaphore, #tpu.memory_space<semaphore_mem>>, %arg23: memref<!tpu.dma_semaphore, #tpu.memory_space<semaphore_mem>>, %arg24: memref<!tpu.dma_semaphore, #tpu.memory_space<semaphore_mem>>) attributes {dimension_semantics = [#tpu.dimension_semantics<core_parallel>, #tpu.dimension_semantics<subcore_parallel>], iteration_bounds = array<i64: 2, 16>, scalar_prefetch = 0 : i64, scratch_operands = 16 : i64, tpu.core_type = #tpu.core_type<sc_vector_subcore>, window_params = [{transform_indices = #map}, {transform_indices = #map}, {transform_indices = #map1}, {transform_indices = #map1}, {transform_indices = #map1}, {transform_indices = #map1}, {transform_indices = #map}]} {
    %mul3A = arith.constant 2 : i32
    %mul3A_0 = arith.muli %arg1, %mul3A : i32
    %add3A = arith.addi %mul3A_0, %arg0 : i32
    %mul3A_1 = arith.constant 128 : i32
    %mul3A_2 = arith.muli %add3A, %mul3A_1 : i32
    "tpu.region"() ({
      %run_scoped3A = tpu.sem_alloc : memref<!tpu.dma_semaphore, #tpu.memory_space<semaphore_mem>>
      tpu.enqueue_dma source(%arg4 : memref<3584xi32, #tpu.memory_space<hbm>>) target(%arg9 : memref<3584xi32, #tpu.memory_space<vmem>>) target_semaphore(%run_scoped3A : memref<!tpu.dma_semaphore, #tpu.memory_space<semaphore_mem>>)
      tpu.wait_dma2 semaphore(%run_scoped3A : memref<!tpu.dma_semaphore, #tpu.memory_space<semaphore_mem>>) src(%arg4 : memref<3584xi32, #tpu.memory_space<hbm>>) dst(%arg9 : memref<3584xi32, #tpu.memory_space<vmem>>)
      tpu.yield
    }) : () -> ()
    "tpu.region"() ({
      %run_scoped3A = tpu.sem_alloc : memref<!tpu.dma_semaphore, #tpu.memory_space<semaphore_mem>>
      tpu.enqueue_dma source(%arg5 : memref<3584xi32, #tpu.memory_space<hbm>>) target(%arg10 : memref<3584xi32, #tpu.memory_space<vmem>>) target_semaphore(%run_scoped3A : memref<!tpu.dma_semaphore, #tpu.memory_space<semaphore_mem>>)
      tpu.wait_dma2 semaphore(%run_scoped3A : memref<!tpu.dma_semaphore, #tpu.memory_space<semaphore_mem>>) src(%arg5 : memref<3584xi32, #tpu.memory_space<hbm>>) dst(%arg10 : memref<3584xi32, #tpu.memory_space<vmem>>)
      tpu.yield
    }) : () -> ()
    "tpu.region"() ({
      %run_scoped3A = tpu.sem_alloc : memref<!tpu.dma_semaphore, #tpu.memory_space<semaphore_mem>>
      tpu.enqueue_dma source(%arg6 : memref<3584xf32, #tpu.memory_space<hbm>>) target(%arg11 : memref<3584xf32, #tpu.memory_space<vmem>>) target_semaphore(%run_scoped3A : memref<!tpu.dma_semaphore, #tpu.memory_space<semaphore_mem>>)
      tpu.wait_dma2 semaphore(%run_scoped3A : memref<!tpu.dma_semaphore, #tpu.memory_space<semaphore_mem>>) src(%arg6 : memref<3584xf32, #tpu.memory_space<hbm>>) dst(%arg11 : memref<3584xf32, #tpu.memory_space<vmem>>)
      tpu.yield
    }) : () -> ()
    "tpu.region"() ({
      %run_scoped3A = tpu.sem_alloc : memref<!tpu.dma_semaphore, #tpu.memory_space<semaphore_mem>>
      tpu.enqueue_dma source(%arg7 : memref<3584xf32, #tpu.memory_space<hbm>>) target(%arg12 : memref<3584xf32, #tpu.memory_space<vmem>>) target_semaphore(%run_scoped3A : memref<!tpu.dma_semaphore, #tpu.memory_space<semaphore_mem>>)
      tpu.wait_dma2 semaphore(%run_scoped3A : memref<!tpu.dma_semaphore, #tpu.memory_space<semaphore_mem>>) src(%arg7 : memref<3584xf32, #tpu.memory_space<hbm>>) dst(%arg12 : memref<3584xf32, #tpu.memory_space<vmem>>)
      tpu.yield
    }) : () -> ()
    %add3A_3 = arith.constant 0 : i32
    %add3A_4 = arith.addi %mul3A_2, %add3A_3 : i32
    %dma_start3A = arith.constant 0 : i32
    %dma_start3A_5 = tpu.memref_slice %arg2[%add3A_4, %dma_start3A] : memref<4096x3072xf32, #tpu.memory_space<hbm>> -> memref<4x3072xf32, #tpu.memory_space<hbm>>
    %dma_start3A_6 = arith.constant 0 : i32
    %dma_start3A_7 = tpu.memref_slice %arg2[%add3A_4, %dma_start3A_6] : memref<4096x3072xf32, #tpu.memory_space<hbm>> -> memref<4x3072xf32, #tpu.memory_space<hbm>>
    tpu.enqueue_dma source(%dma_start3A_7 : memref<4x3072xf32, #tpu.memory_space<hbm>>) target(%arg13 : memref<4x3072xf32, #tpu.memory_space<vmem>>) target_semaphore(%arg19 : memref<!tpu.dma_semaphore, #tpu.memory_space<semaphore_mem>>)
    %dma_start3A_8 = arith.constant 0 : i32
    %dma_start3A_9 = tpu.memref_slice %arg3[%add3A_4, %dma_start3A_8] : memref<4096x2048xf32, #tpu.memory_space<hbm>> -> memref<4x2048xf32, #tpu.memory_space<hbm>>
    %dma_start3A_10 = arith.constant 0 : i32
    %dma_start3A_11 = tpu.memref_slice %arg3[%add3A_4, %dma_start3A_10] : memref<4096x2048xf32, #tpu.memory_space<hbm>> -> memref<4x2048xf32, #tpu.memory_space<hbm>>
    tpu.enqueue_dma source(%dma_start3A_11 : memref<4x2048xf32, #tpu.memory_space<hbm>>) target(%arg15 : memref<4x2048xf32, #tpu.memory_space<vmem>>) target_semaphore(%arg21 : memref<!tpu.dma_semaphore, #tpu.memory_space<semaphore_mem>>)
    %add3A_12 = arith.constant 4 : i32
    %add3A_13 = arith.addi %mul3A_2, %add3A_12 : i32
    %dma_start3A_14 = arith.constant 0 : i32
    %dma_start3A_15 = tpu.memref_slice %arg2[%add3A_13, %dma_start3A_14] : memref<4096x3072xf32, #tpu.memory_space<hbm>> -> memref<4x3072xf32, #tpu.memory_space<hbm>>
    %dma_start3A_16 = arith.constant 0 : i32
    %dma_start3A_17 = tpu.memref_slice %arg2[%add3A_13, %dma_start3A_16] : memref<4096x3072xf32, #tpu.memory_space<hbm>> -> memref<4x3072xf32, #tpu.memory_space<hbm>>
    tpu.enqueue_dma source(%dma_start3A_17 : memref<4x3072xf32, #tpu.memory_space<hbm>>) target(%arg14 : memref<4x3072xf32, #tpu.memory_space<vmem>>) target_semaphore(%arg20 : memref<!tpu.dma_semaphore, #tpu.memory_space<semaphore_mem>>)
    %dma_start3A_18 = arith.constant 0 : i32
    %dma_start3A_19 = tpu.memref_slice %arg3[%add3A_13, %dma_start3A_18] : memref<4096x2048xf32, #tpu.memory_space<hbm>> -> memref<4x2048xf32, #tpu.memory_space<hbm>>
    %dma_start3A_20 = arith.constant 0 : i32
    %dma_start3A_21 = tpu.memref_slice %arg3[%add3A_13, %dma_start3A_20] : memref<4096x2048xf32, #tpu.memory_space<hbm>> -> memref<4x2048xf32, #tpu.memory_space<hbm>>
    tpu.enqueue_dma source(%dma_start3A_21 : memref<4x2048xf32, #tpu.memory_space<hbm>>) target(%arg16 : memref<4x2048xf32, #tpu.memory_space<vmem>>) target_semaphore(%arg22 : memref<!tpu.dma_semaphore, #tpu.memory_space<semaphore_mem>>)
    %scan3A = arith.constant 0 : i32
    %scan3A_22 = arith.constant 0 : i32
    %scan3A_23 = arith.constant 16 : i32
    %scan3A_24 = arith.addi %scan3A_22, %scan3A_23 : i32
    %scan3A_25 = arith.constant 1 : i32
    %scan3A_26 = scf.for %scan3A_63 = %scan3A_22 to %scan3A_24 step %scan3A_25 iter_args(%scan3A_64 = %scan3A) -> (i32)  : i32 {
      %mul3A_65 = arith.constant 2 : i32
      %mul3A_66 = arith.muli %scan3A_63, %mul3A_65 : i32
      %add3A_67 = arith.constant 0 : i32
      %add3A_68 = arith.addi %mul3A_66, %add3A_67 : i32
      %dma_wait3A_69 = arith.constant 0 : i32
      %dma_wait3A_70 = arith.constant 0 : i32
      %dma_wait3A_71 = tpu.memref_slice %arg2[%dma_wait3A_69, %dma_wait3A_70] : memref<4096x3072xf32, #tpu.memory_space<hbm>> -> memref<4x3072xf32, #tpu.memory_space<hbm>>
      %dma_wait3A_72 = arith.constant 0 : i32
      %dma_wait3A_73 = arith.constant 0 : i32
      %dma_wait3A_74 = tpu.memref_slice %arg2[%dma_wait3A_72, %dma_wait3A_73] : memref<4096x3072xf32, #tpu.memory_space<hbm>> -> memref<4x3072xf32, #tpu.memory_space<hbm>>
      tpu.wait_dma2 semaphore(%arg19 : memref<!tpu.dma_semaphore, #tpu.memory_space<semaphore_mem>>) src(%dma_wait3A_74 : memref<4x3072xf32, #tpu.memory_space<hbm>>) dst(%arg13 : memref<4x3072xf32, #tpu.memory_space<vmem>>)
      %dma_wait3A_75 = arith.constant 0 : i32
      %dma_wait3A_76 = arith.constant 0 : i32
      %dma_wait3A_77 = tpu.memref_slice %arg3[%dma_wait3A_75, %dma_wait3A_76] : memref<4096x2048xf32, #tpu.memory_space<hbm>> -> memref<4x2048xf32, #tpu.memory_space<hbm>>
      %dma_wait3A_78 = arith.constant 0 : i32
      %dma_wait3A_79 = arith.constant 0 : i32
      %dma_wait3A_80 = tpu.memref_slice %arg3[%dma_wait3A_78, %dma_wait3A_79] : memref<4096x2048xf32, #tpu.memory_space<hbm>> -> memref<4x2048xf32, #tpu.memory_space<hbm>>
      tpu.wait_dma2 semaphore(%arg21 : memref<!tpu.dma_semaphore, #tpu.memory_space<semaphore_mem>>) src(%dma_wait3A_80 : memref<4x2048xf32, #tpu.memory_space<hbm>>) dst(%arg15 : memref<4x2048xf32, #tpu.memory_space<vmem>>)
      %gt3A = arith.constant 0 : i32
      %gt3A_81 = arith.cmpi sgt, %scan3A_63, %gt3A : i32
      %convert_element_type3A = arith.extui %gt3A_81 : i1 to i32
      %cond3A = arith.constant 0 : i32
      %cond3A_82 = arith.cmpi ne, %convert_element_type3A, %cond3A : i32
      scf.if %cond3A_82 {
        %dma_wait3A_167 = arith.constant 0 : i32
        %dma_wait3A_168 = arith.constant 0 : i32
        %dma_wait3A_169 = tpu.memref_slice %arg8[%dma_wait3A_167, %dma_wait3A_168] : memref<4096x3584xf32, #tpu.memory_space<hbm>> -> memref<4x3584xf32, #tpu.memory_space<hbm>>
        %dma_wait3A_170 = arith.constant 0 : i32
        %dma_wait3A_171 = arith.constant 0 : i32
        %dma_wait3A_172 = tpu.memref_slice %arg8[%dma_wait3A_170, %dma_wait3A_171] : memref<4096x3584xf32, #tpu.memory_space<hbm>> -> memref<4x3584xf32, #tpu.memory_space<hbm>>
        tpu.wait_dma2 semaphore(%arg23 : memref<!tpu.dma_semaphore, #tpu.memory_space<semaphore_mem>>) src(%arg17 : memref<4x3584xf32, #tpu.memory_space<vmem>>) dst(%dma_wait3A_172 : memref<4x3584xf32, #tpu.memory_space<hbm>>)
      } else {
      }
      %scan3A_83 = arith.constant 0 : i32
      %scan3A_84 = arith.constant 0 : i32
      %scan3A_85 = arith.constant 224 : i32
      %scan3A_86 = arith.addi %scan3A_84, %scan3A_85 : i32
      %scan3A_87 = arith.constant 2 : i32
      %scan3A_88 = scf.for %scan3A_167 = %scan3A_84 to %scan3A_86 step %scan3A_87 iter_args(%scan3A_168 = %scan3A_83) -> (i32)  : i32 {
        %mul3A_169 = arith.constant 16 : i32
        %mul3A_170 = arith.muli %scan3A_167, %mul3A_169 : i32
        %get3A = arith.index_cast %mul3A_170 : i32 to index
        %get3A_171 = tpu.vector_load %arg9[%get3A] {strides = array<i32>} : memref<3584xi32, #tpu.memory_space<vmem>>, vector<16xi32>,
        %get3A_172 = arith.index_cast %mul3A_170 : i32 to index
        %get3A_173 = tpu.vector_load %arg10[%get3A_172] {strides = array<i32>} : memref<3584xi32, #tpu.memory_space<vmem>>, vector<16xi32>,
        %get3A_174 = arith.index_cast %mul3A_170 : i32 to index
        %get3A_175 = tpu.vector_load %arg11[%get3A_174] {strides = array<i32>} : memref<3584xf32, #tpu.memory_space<vmem>>, vector<16xf32>,
        %get3A_176 = arith.index_cast %mul3A_170 : i32 to index
        %get3A_177 = tpu.vector_load %arg12[%get3A_176] {strides = array<i32>} : memref<3584xf32, #tpu.memory_space<vmem>>, vector<16xf32>,
        %broadcast_in_dim3A = arith.constant 0 : i32
        %broadcast_in_dim3A_178 = vector.broadcast %broadcast_in_dim3A : i32 to vector<16xi32>
        %gather3A = tpu.vector_load_idx %arg13[%broadcast_in_dim3A_178, %get3A_171] : memref<4x3072xf32, #tpu.memory_space<vmem>>[vector<16xi32>, vector<16xi32>], vector<16xf32>,
        %gather3A_179 = tpu.vector_load_idx %arg15[%broadcast_in_dim3A_178, %get3A_173] : memref<4x2048xf32, #tpu.memory_space<vmem>>[vector<16xi32>, vector<16xi32>], vector<16xf32>,
        %mul3A_180 = arith.mulf %gather3A, %get3A_175 : vector<16xf32>
        %mul3A_181 = arith.mulf %gather3A_179, %get3A_177 : vector<16xf32>
        %add3A_182 = arith.addf %mul3A_180, %mul3A_181 : vector<16xf32>
        %swap3A = arith.constant 0 : i32
        %swap3A_183 = arith.index_cast %swap3A : i32 to index
        %swap3A_184 = arith.index_cast %mul3A_170 : i32 to index
        %swap3A_185 = tpu.vector_load %arg17[%swap3A_183, %swap3A_184] {strides = array<i32>} : memref<4x3584xf32, #tpu.memory_space<vmem>>, vector<16xf32>,
        tpu.vector_store %arg17[%swap3A_183, %swap3A_184], %add3A_182 {strides = array<i32>} : memref<4x3584xf32, #tpu.memory_space<vmem>>, vector<16xf32>,
        %broadcast_in_dim3A_186 = arith.constant 1 : i32
        %broadcast_in_dim3A_187 = vector.broadcast %broadcast_in_dim3A_186 : i32 to vector<16xi32>
        %gather3A_188 = tpu.vector_load_idx %arg13[%broadcast_in_dim3A_187, %get3A_171] : memref<4x3072xf32, #tpu.memory_space<vmem>>[vector<16xi32>, vector<16xi32>], vector<16xf32>,
        %gather3A_189 = tpu.vector_load_idx %arg15[%broadcast_in_dim3A_187, %get3A_173] : memref<4x2048xf32, #tpu.memory_space<vmem>>[vector<16xi32>, vector<16xi32>], vector<16xf32>,
        %mul3A_190 = arith.mulf %gather3A_188, %get3A_175 : vector<16xf32>
        %mul3A_191 = arith.mulf %gather3A_189, %get3A_177 : vector<16xf32>
        %add3A_192 = arith.addf %mul3A_190, %mul3A_191 : vector<16xf32>
        %swap3A_193 = arith.constant 1 : i32
        %swap3A_194 = arith.index_cast %swap3A_193 : i32 to index
        %swap3A_195 = arith.index_cast %mul3A_170 : i32 to index
        %swap3A_196 = tpu.vector_load %arg17[%swap3A_194, %swap3A_195] {strides = array<i32>} : memref<4x3584xf32, #tpu.memory_space<vmem>>, vector<16xf32>,
        tpu.vector_store %arg17[%swap3A_194, %swap3A_195], %add3A_192 {strides = array<i32>} : memref<4x3584xf32, #tpu.memory_space<vmem>>, vector<16xf32>,
        %broadcast_in_dim3A_197 = arith.constant 2 : i32
        %broadcast_in_dim3A_198 = vector.broadcast %broadcast_in_dim3A_197 : i32 to vector<16xi32>
        %gather3A_199 = tpu.vector_load_idx %arg13[%broadcast_in_dim3A_198, %get3A_171] : memref<4x3072xf32, #tpu.memory_space<vmem>>[vector<16xi32>, vector<16xi32>], vector<16xf32>,
        %gather3A_200 = tpu.vector_load_idx %arg15[%broadcast_in_dim3A_198, %get3A_173] : memref<4x2048xf32, #tpu.memory_space<vmem>>[vector<16xi32>, vector<16xi32>], vector<16xf32>,
        %mul3A_201 = arith.mulf %gather3A_199, %get3A_175 : vector<16xf32>
        %mul3A_202 = arith.mulf %gather3A_200, %get3A_177 : vector<16xf32>
        %add3A_203 = arith.addf %mul3A_201, %mul3A_202 : vector<16xf32>
        %swap3A_204 = arith.constant 2 : i32
        %swap3A_205 = arith.index_cast %swap3A_204 : i32 to index
        %swap3A_206 = arith.index_cast %mul3A_170 : i32 to index
        %swap3A_207 = tpu.vector_load %arg17[%swap3A_205, %swap3A_206] {strides = array<i32>} : memref<4x3584xf32, #tpu.memory_space<vmem>>, vector<16xf32>,
        tpu.vector_store %arg17[%swap3A_205, %swap3A_206], %add3A_203 {strides = array<i32>} : memref<4x3584xf32, #tpu.memory_space<vmem>>, vector<16xf32>,
        %broadcast_in_dim3A_208 = arith.constant 3 : i32
        %broadcast_in_dim3A_209 = vector.broadcast %broadcast_in_dim3A_208 : i32 to vector<16xi32>
        %gather3A_210 = tpu.vector_load_idx %arg13[%broadcast_in_dim3A_209, %get3A_171] : memref<4x3072xf32, #tpu.memory_space<vmem>>[vector<16xi32>, vector<16xi32>], vector<16xf32>,
        %gather3A_211 = tpu.vector_load_idx %arg15[%broadcast_in_dim3A_209, %get3A_173] : memref<4x2048xf32, #tpu.memory_space<vmem>>[vector<16xi32>, vector<16xi32>], vector<16xf32>,
        %mul3A_212 = arith.mulf %gather3A_210, %get3A_175 : vector<16xf32>
        %mul3A_213 = arith.mulf %gather3A_211, %get3A_177 : vector<16xf32>
        %add3A_214 = arith.addf %mul3A_212, %mul3A_213 : vector<16xf32>
        %swap3A_215 = arith.constant 3 : i32
        %swap3A_216 = arith.index_cast %swap3A_215 : i32 to index
        %swap3A_217 = arith.index_cast %mul3A_170 : i32 to index
        %swap3A_218 = tpu.vector_load %arg17[%swap3A_216, %swap3A_217] {strides = array<i32>} : memref<4x3584xf32, #tpu.memory_space<vmem>>, vector<16xf32>,
        tpu.vector_store %arg17[%swap3A_216, %swap3A_217], %add3A_214 {strides = array<i32>} : memref<4x3584xf32, #tpu.memory_space<vmem>>, vector<16xf32>,
        %scan3A_219 = arith.constant 0 : i32
        %scan3A_220 = arith.constant 1 : i32
        %scan3A_221 = arith.addi %scan3A_167, %scan3A_220 : i32
        %mul3A_222 = arith.constant 16 : i32
        %mul3A_223 = arith.muli %scan3A_221, %mul3A_222 : i32
        %get3A_224 = arith.index_cast %mul3A_223 : i32 to index
        %get3A_225 = tpu.vector_load %arg9[%get3A_224] {strides = array<i32>} : memref<3584xi32, #tpu.memory_space<vmem>>, vector<16xi32>,
        %get3A_226 = arith.index_cast %mul3A_223 : i32 to index
        %get3A_227 = tpu.vector_load %arg10[%get3A_226] {strides = array<i32>} : memref<3584xi32, #tpu.memory_space<vmem>>, vector<16xi32>,
        %get3A_228 = arith.index_cast %mul3A_223 : i32 to index
        %get3A_229 = tpu.vector_load %arg11[%get3A_228] {strides = array<i32>} : memref<3584xf32, #tpu.memory_space<vmem>>, vector<16xf32>,
        %get3A_230 = arith.index_cast %mul3A_223 : i32 to index
        %get3A_231 = tpu.vector_load %arg12[%get3A_230] {strides = array<i32>} : memref<3584xf32, #tpu.memory_space<vmem>>, vector<16xf32>,
        %broadcast_in_dim3A_232 = arith.constant 0 : i32
        %broadcast_in_dim3A_233 = vector.broadcast %broadcast_in_dim3A_232 : i32 to vector<16xi32>
        %gather3A_234 = tpu.vector_load_idx %arg13[%broadcast_in_dim3A_233, %get3A_225] : memref<4x3072xf32, #tpu.memory_space<vmem>>[vector<16xi32>, vector<16xi32>], vector<16xf32>,
        %gather3A_235 = tpu.vector_load_idx %arg15[%broadcast_in_dim3A_233, %get3A_227] : memref<4x2048xf32, #tpu.memory_space<vmem>>[vector<16xi32>, vector<16xi32>], vector<16xf32>,
        %mul3A_236 = arith.mulf %gather3A_234, %get3A_229 : vector<16xf32>
        %mul3A_237 = arith.mulf %gather3A_235, %get3A_231 : vector<16xf32>
        %add3A_238 = arith.addf %mul3A_236, %mul3A_237 : vector<16xf32>
        %swap3A_239 = arith.constant 0 : i32
        %swap3A_240 = arith.index_cast %swap3A_239 : i32 to index
        %swap3A_241 = arith.index_cast %mul3A_223 : i32 to index
        %swap3A_242 = tpu.vector_load %arg17[%swap3A_240, %swap3A_241] {strides = array<i32>} : memref<4x3584xf32, #tpu.memory_space<vmem>>, vector<16xf32>,
        tpu.vector_store %arg17[%swap3A_240, %swap3A_241], %add3A_238 {strides = array<i32>} : memref<4x3584xf32, #tpu.memory_space<vmem>>, vector<16xf32>,
        %broadcast_in_dim3A_243 = arith.constant 1 : i32
        %broadcast_in_dim3A_244 = vector.broadcast %broadcast_in_dim3A_243 : i32 to vector<16xi32>
        %gather3A_245 = tpu.vector_load_idx %arg13[%broadcast_in_dim3A_244, %get3A_225] : memref<4x3072xf32, #tpu.memory_space<vmem>>[vector<16xi32>, vector<16xi32>], vector<16xf32>,
        %gather3A_246 = tpu.vector_load_idx %arg15[%broadcast_in_dim3A_244, %get3A_227] : memref<4x2048xf32, #tpu.memory_space<vmem>>[vector<16xi32>, vector<16xi32>], vector<16xf32>,
        %mul3A_247 = arith.mulf %gather3A_245, %get3A_229 : vector<16xf32>
        %mul3A_248 = arith.mulf %gather3A_246, %get3A_231 : vector<16xf32>
        %add3A_249 = arith.addf %mul3A_247, %mul3A_248 : vector<16xf32>
        %swap3A_250 = arith.constant 1 : i32
        %swap3A_251 = arith.index_cast %swap3A_250 : i32 to index
        %swap3A_252 = arith.index_cast %mul3A_223 : i32 to index
        %swap3A_253 = tpu.vector_load %arg17[%swap3A_251, %swap3A_252] {strides = array<i32>} : memref<4x3584xf32, #tpu.memory_space<vmem>>, vector<16xf32>,
        tpu.vector_store %arg17[%swap3A_251, %swap3A_252], %add3A_249 {strides = array<i32>} : memref<4x3584xf32, #tpu.memory_space<vmem>>, vector<16xf32>,
        %broadcast_in_dim3A_254 = arith.constant 2 : i32
        %broadcast_in_dim3A_255 = vector.broadcast %broadcast_in_dim3A_254 : i32 to vector<16xi32>
        %gather3A_256 = tpu.vector_load_idx %arg13[%broadcast_in_dim3A_255, %get3A_225] : memref<4x3072xf32, #tpu.memory_space<vmem>>[vector<16xi32>, vector<16xi32>], vector<16xf32>,
        %gather3A_257 = tpu.vector_load_idx %arg15[%broadcast_in_dim3A_255, %get3A_227] : memref<4x2048xf32, #tpu.memory_space<vmem>>[vector<16xi32>, vector<16xi32>], vector<16xf32>,
        %mul3A_258 = arith.mulf %gather3A_256, %get3A_229 : vector<16xf32>
        %mul3A_259 = arith.mulf %gather3A_257, %get3A_231 : vector<16xf32>
        %add3A_260 = arith.addf %mul3A_258, %mul3A_259 : vector<16xf32>
        %swap3A_261 = arith.constant 2 : i32
        %swap3A_262 = arith.index_cast %swap3A_261 : i32 to index
        %swap3A_263 = arith.index_cast %mul3A_223 : i32 to index
        %swap3A_264 = tpu.vector_load %arg17[%swap3A_262, %swap3A_263] {strides = array<i32>} : memref<4x3584xf32, #tpu.memory_space<vmem>>, vector<16xf32>,
        tpu.vector_store %arg17[%swap3A_262, %swap3A_263], %add3A_260 {strides = array<i32>} : memref<4x3584xf32, #tpu.memory_space<vmem>>, vector<16xf32>,
        %broadcast_in_dim3A_265 = arith.constant 3 : i32
        %broadcast_in_dim3A_266 = vector.broadcast %broadcast_in_dim3A_265 : i32 to vector<16xi32>
        %gather3A_267 = tpu.vector_load_idx %arg13[%broadcast_in_dim3A_266, %get3A_225] : memref<4x3072xf32, #tpu.memory_space<vmem>>[vector<16xi32>, vector<16xi32>], vector<16xf32>,
        %gather3A_268 = tpu.vector_load_idx %arg15[%broadcast_in_dim3A_266, %get3A_227] : memref<4x2048xf32, #tpu.memory_space<vmem>>[vector<16xi32>, vector<16xi32>], vector<16xf32>,
        %mul3A_269 = arith.mulf %gather3A_267, %get3A_229 : vector<16xf32>
        %mul3A_270 = arith.mulf %gather3A_268, %get3A_231 : vector<16xf32>
        %add3A_271 = arith.addf %mul3A_269, %mul3A_270 : vector<16xf32>
        %swap3A_272 = arith.constant 3 : i32
        %swap3A_273 = arith.index_cast %swap3A_272 : i32 to index
        %swap3A_274 = arith.index_cast %mul3A_223 : i32 to index
        %swap3A_275 = tpu.vector_load %arg17[%swap3A_273, %swap3A_274] {strides = array<i32>} : memref<4x3584xf32, #tpu.memory_space<vmem>>, vector<16xf32>,
        tpu.vector_store %arg17[%swap3A_273, %swap3A_274], %add3A_271 {strides = array<i32>} : memref<4x3584xf32, #tpu.memory_space<vmem>>, vector<16xf32>,
        %scan3A_276 = arith.constant 0 : i32
        scf.yield %scan3A_276 : i32
      }
      %scan3A_89 = arith.constant 224 : i32
      %add3A_90 = arith.constant 2 : i32
      %add3A_91 = arith.addi %add3A_68, %add3A_90 : i32
      %lt3A = arith.constant 32 : i32
      %lt3A_92 = arith.cmpi slt, %add3A_91, %lt3A : i32
      %add3A_93 = arith.constant 2 : i32
      %add3A_94 = arith.addi %add3A_68, %add3A_93 : i32
      %select_n3A = arith.select %lt3A_92, %add3A_94, %add3A_68 : i32
      %mul3A_95 = arith.constant 4 : i32
      %mul3A_96 = arith.muli %select_n3A, %mul3A_95 : i32
      %add3A_97 = arith.addi %mul3A_2, %mul3A_96 : i32
      %dma_start3A_98 = arith.constant 0 : i32
      %dma_start3A_99 = tpu.memref_slice %arg2[%add3A_97, %dma_start3A_98] : memref<4096x3072xf32, #tpu.memory_space<hbm>> -> memref<4x3072xf32, #tpu.memory_space<hbm>>
      %dma_start3A_100 = arith.constant 0 : i32
      %dma_start3A_101 = tpu.memref_slice %arg2[%add3A_97, %dma_start3A_100] : memref<4096x3072xf32, #tpu.memory_space<hbm>> -> memref<4x3072xf32, #tpu.memory_space<hbm>>
      tpu.enqueue_dma source(%dma_start3A_101 : memref<4x3072xf32, #tpu.memory_space<hbm>>) target(%arg13 : memref<4x3072xf32, #tpu.memory_space<vmem>>) target_semaphore(%arg19 : memref<!tpu.dma_semaphore, #tpu.memory_space<semaphore_mem>>)
      %dma_start3A_102 = arith.constant 0 : i32
      %dma_start3A_103 = tpu.memref_slice %arg3[%add3A_97, %dma_start3A_102] : memref<4096x2048xf32, #tpu.memory_space<hbm>> -> memref<4x2048xf32, #tpu.memory_space<hbm>>
      %dma_start3A_104 = arith.constant 0 : i32
      %dma_start3A_105 = tpu.memref_slice %arg3[%add3A_97, %dma_start3A_104] : memref<4096x2048xf32, #tpu.memory_space<hbm>> -> memref<4x2048xf32, #tpu.memory_space<hbm>>
      tpu.enqueue_dma source(%dma_start3A_105 : memref<4x2048xf32, #tpu.memory_space<hbm>>) target(%arg15 : memref<4x2048xf32, #tpu.memory_space<vmem>>) target_semaphore(%arg21 : memref<!tpu.dma_semaphore, #tpu.memory_space<semaphore_mem>>)
      %mul3A_106 = arith.constant 4 : i32
      %mul3A_107 = arith.muli %add3A_68, %mul3A_106 : i32
      %add3A_108 = arith.addi %mul3A_2, %mul3A_107 : i32
      %dma_start3A_109 = arith.constant 0 : i32
      %dma_start3A_110 = tpu.memref_slice %arg8[%add3A_108, %dma_start3A_109] : memref<4096x3584xf32, #tpu.memory_space<hbm>> -> memref<4x3584xf32, #tpu.memory_space<hbm>>
      %dma_start3A_111 = arith.constant 0 : i32
      %dma_start3A_112 = tpu.memref_slice %arg8[%add3A_108, %dma_start3A_111] : memref<4096x3584xf32, #tpu.memory_space<hbm>> -> memref<4x3584xf32, #tpu.memory_space<hbm>>
      tpu.enqueue_dma source(%arg17 : memref<4x3584xf32, #tpu.memory_space<vmem>>) target(%dma_start3A_112 : memref<4x3584xf32, #tpu.memory_space<hbm>>) target_semaphore(%arg23 : memref<!tpu.dma_semaphore, #tpu.memory_space<semaphore_mem>>)
      %mul3A_113 = arith.constant 2 : i32
      %mul3A_114 = arith.muli %scan3A_63, %mul3A_113 : i32
      %add3A_115 = arith.constant 1 : i32
      %add3A_116 = arith.addi %mul3A_114, %add3A_115 : i32
      %dma_wait3A_117 = arith.constant 0 : i32
      %dma_wait3A_118 = arith.constant 0 : i32
      %dma_wait3A_119 = tpu.memref_slice %arg2[%dma_wait3A_117, %dma_wait3A_118] : memref<4096x3072xf32, #tpu.memory_space<hbm>> -> memref<4x3072xf32, #tpu.memory_space<hbm>>
      %dma_wait3A_120 = arith.constant 0 : i32
      %dma_wait3A_121 = arith.constant 0 : i32
      %dma_wait3A_122 = tpu.memref_slice %arg2[%dma_wait3A_120, %dma_wait3A_121] : memref<4096x3072xf32, #tpu.memory_space<hbm>> -> memref<4x3072xf32, #tpu.memory_space<hbm>>
      tpu.wait_dma2 semaphore(%arg20 : memref<!tpu.dma_semaphore, #tpu.memory_space<semaphore_mem>>) src(%dma_wait3A_122 : memref<4x3072xf32, #tpu.memory_space<hbm>>) dst(%arg14 : memref<4x3072xf32, #tpu.memory_space<vmem>>)
      %dma_wait3A_123 = arith.constant 0 : i32
      %dma_wait3A_124 = arith.constant 0 : i32
      %dma_wait3A_125 = tpu.memref_slice %arg3[%dma_wait3A_123, %dma_wait3A_124] : memref<4096x2048xf32, #tpu.memory_space<hbm>> -> memref<4x2048xf32, #tpu.memory_space<hbm>>
      %dma_wait3A_126 = arith.constant 0 : i32
      %dma_wait3A_127 = arith.constant 0 : i32
      %dma_wait3A_128 = tpu.memref_slice %arg3[%dma_wait3A_126, %dma_wait3A_127] : memref<4096x2048xf32, #tpu.memory_space<hbm>> -> memref<4x2048xf32, #tpu.memory_space<hbm>>
      tpu.wait_dma2 semaphore(%arg22 : memref<!tpu.dma_semaphore, #tpu.memory_space<semaphore_mem>>) src(%dma_wait3A_128 : memref<4x2048xf32, #tpu.memory_space<hbm>>) dst(%arg16 : memref<4x2048xf32, #tpu.memory_space<vmem>>)
      %gt3A_129 = arith.constant 0 : i32
      %gt3A_130 = arith.cmpi sgt, %scan3A_63, %gt3A_129 : i32
      %convert_element_type3A_131 = arith.extui %gt3A_130 : i1 to i32
      %cond3A_132 = arith.constant 0 : i32
      %cond3A_133 = arith.cmpi ne, %convert_element_type3A_131, %cond3A_132 : i32
      scf.if %cond3A_133 {
        %dma_wait3A_167 = arith.constant 0 : i32
        %dma_wait3A_168 = arith.constant 0 : i32
        %dma_wait3A_169 = tpu.memref_slice %arg8[%dma_wait3A_167, %dma_wait3A_168] : memref<4096x3584xf32, #tpu.memory_space<hbm>> -> memref<4x3584xf32, #tpu.memory_space<hbm>>
        %dma_wait3A_170 = arith.constant 0 : i32
        %dma_wait3A_171 = arith.constant 0 : i32
        %dma_wait3A_172 = tpu.memref_slice %arg8[%dma_wait3A_170, %dma_wait3A_171] : memref<4096x3584xf32, #tpu.memory_space<hbm>> -> memref<4x3584xf32, #tpu.memory_space<hbm>>
        tpu.wait_dma2 semaphore(%arg24 : memref<!tpu.dma_semaphore, #tpu.memory_space<semaphore_mem>>) src(%arg18 : memref<4x3584xf32, #tpu.memory_space<vmem>>) dst(%dma_wait3A_172 : memref<4x3584xf32, #tpu.memory_space<hbm>>)
      } else {
      }
      %scan3A_134 = arith.constant 0 : i32
      %scan3A_135 = arith.constant 0 : i32
      %scan3A_136 = arith.constant 224 : i32
      %scan3A_137 = arith.addi %scan3A_135, %scan3A_136 : i32
      %scan3A_138 = arith.constant 2 : i32
      %scan3A_139 = scf.for %scan3A_167 = %scan3A_135 to %scan3A_137 step %scan3A_138 iter_args(%scan3A_168 = %scan3A_134) -> (i32)  : i32 {
        %mul3A_169 = arith.constant 16 : i32
        %mul3A_170 = arith.muli %scan3A_167, %mul3A_169 : i32
        %get3A = arith.index_cast %mul3A_170 : i32 to index
        %get3A_171 = tpu.vector_load %arg9[%get3A] {strides = array<i32>} : memref<3584xi32, #tpu.memory_space<vmem>>, vector<16xi32>,
        %get3A_172 = arith.index_cast %mul3A_170 : i32 to index
        %get3A_173 = tpu.vector_load %arg10[%get3A_172] {strides = array<i32>} : memref<3584xi32, #tpu.memory_space<vmem>>, vector<16xi32>,
        %get3A_174 = arith.index_cast %mul3A_170 : i32 to index
        %get3A_175 = tpu.vector_load %arg11[%get3A_174] {strides = array<i32>} : memref<3584xf32, #tpu.memory_space<vmem>>, vector<16xf32>,
        %get3A_176 = arith.index_cast %mul3A_170 : i32 to index
        %get3A_177 = tpu.vector_load %arg12[%get3A_176] {strides = array<i32>} : memref<3584xf32, #tpu.memory_space<vmem>>, vector<16xf32>,
        %broadcast_in_dim3A = arith.constant 0 : i32
        %broadcast_in_dim3A_178 = vector.broadcast %broadcast_in_dim3A : i32 to vector<16xi32>
        %gather3A = tpu.vector_load_idx %arg14[%broadcast_in_dim3A_178, %get3A_171] : memref<4x3072xf32, #tpu.memory_space<vmem>>[vector<16xi32>, vector<16xi32>], vector<16xf32>,
        %gather3A_179 = tpu.vector_load_idx %arg16[%broadcast_in_dim3A_178, %get3A_173] : memref<4x2048xf32, #tpu.memory_space<vmem>>[vector<16xi32>, vector<16xi32>], vector<16xf32>,
        %mul3A_180 = arith.mulf %gather3A, %get3A_175 : vector<16xf32>
        %mul3A_181 = arith.mulf %gather3A_179, %get3A_177 : vector<16xf32>
        %add3A_182 = arith.addf %mul3A_180, %mul3A_181 : vector<16xf32>
        %swap3A = arith.constant 0 : i32
        %swap3A_183 = arith.index_cast %swap3A : i32 to index
        %swap3A_184 = arith.index_cast %mul3A_170 : i32 to index
        %swap3A_185 = tpu.vector_load %arg18[%swap3A_183, %swap3A_184] {strides = array<i32>} : memref<4x3584xf32, #tpu.memory_space<vmem>>, vector<16xf32>,
        tpu.vector_store %arg18[%swap3A_183, %swap3A_184], %add3A_182 {strides = array<i32>} : memref<4x3584xf32, #tpu.memory_space<vmem>>, vector<16xf32>,
        %broadcast_in_dim3A_186 = arith.constant 1 : i32
        %broadcast_in_dim3A_187 = vector.broadcast %broadcast_in_dim3A_186 : i32 to vector<16xi32>
        %gather3A_188 = tpu.vector_load_idx %arg14[%broadcast_in_dim3A_187, %get3A_171] : memref<4x3072xf32, #tpu.memory_space<vmem>>[vector<16xi32>, vector<16xi32>], vector<16xf32>,
        %gather3A_189 = tpu.vector_load_idx %arg16[%broadcast_in_dim3A_187, %get3A_173] : memref<4x2048xf32, #tpu.memory_space<vmem>>[vector<16xi32>, vector<16xi32>], vector<16xf32>,
        %mul3A_190 = arith.mulf %gather3A_188, %get3A_175 : vector<16xf32>
        %mul3A_191 = arith.mulf %gather3A_189, %get3A_177 : vector<16xf32>
        %add3A_192 = arith.addf %mul3A_190, %mul3A_191 : vector<16xf32>
        %swap3A_193 = arith.constant 1 : i32
        %swap3A_194 = arith.index_cast %swap3A_193 : i32 to index
        %swap3A_195 = arith.index_cast %mul3A_170 : i32 to index
        %swap3A_196 = tpu.vector_load %arg18[%swap3A_194, %swap3A_195] {strides = array<i32>} : memref<4x3584xf32, #tpu.memory_space<vmem>>, vector<16xf32>,
        tpu.vector_store %arg18[%swap3A_194, %swap3A_195], %add3A_192 {strides = array<i32>} : memref<4x3584xf32, #tpu.memory_space<vmem>>, vector<16xf32>,
        %broadcast_in_dim3A_197 = arith.constant 2 : i32
        %broadcast_in_dim3A_198 = vector.broadcast %broadcast_in_dim3A_197 : i32 to vector<16xi32>
        %gather3A_199 = tpu.vector_load_idx %arg14[%broadcast_in_dim3A_198, %get3A_171] : memref<4x3072xf32, #tpu.memory_space<vmem>>[vector<16xi32>, vector<16xi32>], vector<16xf32>,
        %gather3A_200 = tpu.vector_load_idx %arg16[%broadcast_in_dim3A_198, %get3A_173] : memref<4x2048xf32, #tpu.memory_space<vmem>>[vector<16xi32>, vector<16xi32>], vector<16xf32>,
        %mul3A_201 = arith.mulf %gather3A_199, %get3A_175 : vector<16xf32>
        %mul3A_202 = arith.mulf %gather3A_200, %get3A_177 : vector<16xf32>
        %add3A_203 = arith.addf %mul3A_201, %mul3A_202 : vector<16xf32>
        %swap3A_204 = arith.constant 2 : i32
        %swap3A_205 = arith.index_cast %swap3A_204 : i32 to index
        %swap3A_206 = arith.index_cast %mul3A_170 : i32 to index
        %swap3A_207 = tpu.vector_load %arg18[%swap3A_205, %swap3A_206] {strides = array<i32>} : memref<4x3584xf32, #tpu.memory_space<vmem>>, vector<16xf32>,
        tpu.vector_store %arg18[%swap3A_205, %swap3A_206], %add3A_203 {strides = array<i32>} : memref<4x3584xf32, #tpu.memory_space<vmem>>, vector<16xf32>,
        %broadcast_in_dim3A_208 = arith.constant 3 : i32
        %broadcast_in_dim3A_209 = vector.broadcast %broadcast_in_dim3A_208 : i32 to vector<16xi32>
        %gather3A_210 = tpu.vector_load_idx %arg14[%broadcast_in_dim3A_209, %get3A_171] : memref<4x3072xf32, #tpu.memory_space<vmem>>[vector<16xi32>, vector<16xi32>], vector<16xf32>,
        %gather3A_211 = tpu.vector_load_idx %arg16[%broadcast_in_dim3A_209, %get3A_173] : memref<4x2048xf32, #tpu.memory_space<vmem>>[vector<16xi32>, vector<16xi32>], vector<16xf32>,
        %mul3A_212 = arith.mulf %gather3A_210, %get3A_175 : vector<16xf32>
        %mul3A_213 = arith.mulf %gather3A_211, %get3A_177 : vector<16xf32>
        %add3A_214 = arith.addf %mul3A_212, %mul3A_213 : vector<16xf32>
        %swap3A_215 = arith.constant 3 : i32
        %swap3A_216 = arith.index_cast %swap3A_215 : i32 to index
        %swap3A_217 = arith.index_cast %mul3A_170 : i32 to index
        %swap3A_218 = tpu.vector_load %arg18[%swap3A_216, %swap3A_217] {strides = array<i32>} : memref<4x3584xf32, #tpu.memory_space<vmem>>, vector<16xf32>,
        tpu.vector_store %arg18[%swap3A_216, %swap3A_217], %add3A_214 {strides = array<i32>} : memref<4x3584xf32, #tpu.memory_space<vmem>>, vector<16xf32>,
        %scan3A_219 = arith.constant 0 : i32
        %scan3A_220 = arith.constant 1 : i32
        %scan3A_221 = arith.addi %scan3A_167, %scan3A_220 : i32
        %mul3A_222 = arith.constant 16 : i32
        %mul3A_223 = arith.muli %scan3A_221, %mul3A_222 : i32
        %get3A_224 = arith.index_cast %mul3A_223 : i32 to index
        %get3A_225 = tpu.vector_load %arg9[%get3A_224] {strides = array<i32>} : memref<3584xi32, #tpu.memory_space<vmem>>, vector<16xi32>,
        %get3A_226 = arith.index_cast %mul3A_223 : i32 to index
        %get3A_227 = tpu.vector_load %arg10[%get3A_226] {strides = array<i32>} : memref<3584xi32, #tpu.memory_space<vmem>>, vector<16xi32>,
        %get3A_228 = arith.index_cast %mul3A_223 : i32 to index
        %get3A_229 = tpu.vector_load %arg11[%get3A_228] {strides = array<i32>} : memref<3584xf32, #tpu.memory_space<vmem>>, vector<16xf32>,
        %get3A_230 = arith.index_cast %mul3A_223 : i32 to index
        %get3A_231 = tpu.vector_load %arg12[%get3A_230] {strides = array<i32>} : memref<3584xf32, #tpu.memory_space<vmem>>, vector<16xf32>,
        %broadcast_in_dim3A_232 = arith.constant 0 : i32
        %broadcast_in_dim3A_233 = vector.broadcast %broadcast_in_dim3A_232 : i32 to vector<16xi32>
        %gather3A_234 = tpu.vector_load_idx %arg14[%broadcast_in_dim3A_233, %get3A_225] : memref<4x3072xf32, #tpu.memory_space<vmem>>[vector<16xi32>, vector<16xi32>], vector<16xf32>,
        %gather3A_235 = tpu.vector_load_idx %arg16[%broadcast_in_dim3A_233, %get3A_227] : memref<4x2048xf32, #tpu.memory_space<vmem>>[vector<16xi32>, vector<16xi32>], vector<16xf32>,
        %mul3A_236 = arith.mulf %gather3A_234, %get3A_229 : vector<16xf32>
        %mul3A_237 = arith.mulf %gather3A_235, %get3A_231 : vector<16xf32>
        %add3A_238 = arith.addf %mul3A_236, %mul3A_237 : vector<16xf32>
        %swap3A_239 = arith.constant 0 : i32
        %swap3A_240 = arith.index_cast %swap3A_239 : i32 to index
        %swap3A_241 = arith.index_cast %mul3A_223 : i32 to index
        %swap3A_242 = tpu.vector_load %arg18[%swap3A_240, %swap3A_241] {strides = array<i32>} : memref<4x3584xf32, #tpu.memory_space<vmem>>, vector<16xf32>,
        tpu.vector_store %arg18[%swap3A_240, %swap3A_241], %add3A_238 {strides = array<i32>} : memref<4x3584xf32, #tpu.memory_space<vmem>>, vector<16xf32>,
        %broadcast_in_dim3A_243 = arith.constant 1 : i32
        %broadcast_in_dim3A_244 = vector.broadcast %broadcast_in_dim3A_243 : i32 to vector<16xi32>
        %gather3A_245 = tpu.vector_load_idx %arg14[%broadcast_in_dim3A_244, %get3A_225] : memref<4x3072xf32, #tpu.memory_space<vmem>>[vector<16xi32>, vector<16xi32>], vector<16xf32>,
        %gather3A_246 = tpu.vector_load_idx %arg16[%broadcast_in_dim3A_244, %get3A_227] : memref<4x2048xf32, #tpu.memory_space<vmem>>[vector<16xi32>, vector<16xi32>], vector<16xf32>,
        %mul3A_247 = arith.mulf %gather3A_245, %get3A_229 : vector<16xf32>
        %mul3A_248 = arith.mulf %gather3A_246, %get3A_231 : vector<16xf32>
        %add3A_249 = arith.addf %mul3A_247, %mul3A_248 : vector<16xf32>
        %swap3A_250 = arith.constant 1 : i32
        %swap3A_251 = arith.index_cast %swap3A_250 : i32 to index
        %swap3A_252 = arith.index_cast %mul3A_223 : i32 to index
        %swap3A_253 = tpu.vector_load %arg18[%swap3A_251, %swap3A_252] {strides = array<i32>} : memref<4x3584xf32, #tpu.memory_space<vmem>>, vector<16xf32>,
        tpu.vector_store %arg18[%swap3A_251, %swap3A_252], %add3A_249 {strides = array<i32>} : memref<4x3584xf32, #tpu.memory_space<vmem>>, vector<16xf32>,
        %broadcast_in_dim3A_254 = arith.constant 2 : i32
        %broadcast_in_dim3A_255 = vector.broadcast %broadcast_in_dim3A_254 : i32 to vector<16xi32>
        %gather3A_256 = tpu.vector_load_idx %arg14[%broadcast_in_dim3A_255, %get3A_225] : memref<4x3072xf32, #tpu.memory_space<vmem>>[vector<16xi32>, vector<16xi32>], vector<16xf32>,
        %gather3A_257 = tpu.vector_load_idx %arg16[%broadcast_in_dim3A_255, %get3A_227] : memref<4x2048xf32, #tpu.memory_space<vmem>>[vector<16xi32>, vector<16xi32>], vector<16xf32>,
        %mul3A_258 = arith.mulf %gather3A_256, %get3A_229 : vector<16xf32>
        %mul3A_259 = arith.mulf %gather3A_257, %get3A_231 : vector<16xf32>
        %add3A_260 = arith.addf %mul3A_258, %mul3A_259 : vector<16xf32>
        %swap3A_261 = arith.constant 2 : i32
        %swap3A_262 = arith.index_cast %swap3A_261 : i32 to index
        %swap3A_263 = arith.index_cast %mul3A_223 : i32 to index
        %swap3A_264 = tpu.vector_load %arg18[%swap3A_262, %swap3A_263] {strides = array<i32>} : memref<4x3584xf32, #tpu.memory_space<vmem>>, vector<16xf32>,
        tpu.vector_store %arg18[%swap3A_262, %swap3A_263], %add3A_260 {strides = array<i32>} : memref<4x3584xf32, #tpu.memory_space<vmem>>, vector<16xf32>,
        %broadcast_in_dim3A_265 = arith.constant 3 : i32
        %broadcast_in_dim3A_266 = vector.broadcast %broadcast_in_dim3A_265 : i32 to vector<16xi32>
        %gather3A_267 = tpu.vector_load_idx %arg14[%broadcast_in_dim3A_266, %get3A_225] : memref<4x3072xf32, #tpu.memory_space<vmem>>[vector<16xi32>, vector<16xi32>], vector<16xf32>,
        %gather3A_268 = tpu.vector_load_idx %arg16[%broadcast_in_dim3A_266, %get3A_227] : memref<4x2048xf32, #tpu.memory_space<vmem>>[vector<16xi32>, vector<16xi32>], vector<16xf32>,
        %mul3A_269 = arith.mulf %gather3A_267, %get3A_229 : vector<16xf32>
        %mul3A_270 = arith.mulf %gather3A_268, %get3A_231 : vector<16xf32>
        %add3A_271 = arith.addf %mul3A_269, %mul3A_270 : vector<16xf32>
        %swap3A_272 = arith.constant 3 : i32
        %swap3A_273 = arith.index_cast %swap3A_272 : i32 to index
        %swap3A_274 = arith.index_cast %mul3A_223 : i32 to index
        %swap3A_275 = tpu.vector_load %arg18[%swap3A_273, %swap3A_274] {strides = array<i32>} : memref<4x3584xf32, #tpu.memory_space<vmem>>, vector<16xf32>,
        tpu.vector_store %arg18[%swap3A_273, %swap3A_274], %add3A_271 {strides = array<i32>} : memref<4x3584xf32, #tpu.memory_space<vmem>>, vector<16xf32>,
        %scan3A_276 = arith.constant 0 : i32
        scf.yield %scan3A_276 : i32
      }
      %scan3A_140 = arith.constant 224 : i32
      %add3A_141 = arith.constant 2 : i32
      %add3A_142 = arith.addi %add3A_116, %add3A_141 : i32
      %lt3A_143 = arith.constant 32 : i32
      %lt3A_144 = arith.cmpi slt, %add3A_142, %lt3A_143 : i32
      %add3A_145 = arith.constant 2 : i32
      %add3A_146 = arith.addi %add3A_116, %add3A_145 : i32
      %select_n3A_147 = arith.select %lt3A_144, %add3A_146, %add3A_116 : i32
      %mul3A_148 = arith.constant 4 : i32
      %mul3A_149 = arith.muli %select_n3A_147, %mul3A_148 : i32
      %add3A_150 = arith.addi %mul3A_2, %mul3A_149 : i32
      %dma_start3A_151 = arith.constant 0 : i32
      %dma_start3A_152 = tpu.memref_slice %arg2[%add3A_150, %dma_start3A_151] : memref<4096x3072xf32, #tpu.memory_space<hbm>> -> memref<4x3072xf32, #tpu.memory_space<hbm>>
      %dma_start3A_153 = arith.constant 0 : i32
      %dma_start3A_154 = tpu.memref_slice %arg2[%add3A_150, %dma_start3A_153] : memref<4096x3072xf32, #tpu.memory_space<hbm>> -> memref<4x3072xf32, #tpu.memory_space<hbm>>
      tpu.enqueue_dma source(%dma_start3A_154 : memref<4x3072xf32, #tpu.memory_space<hbm>>) target(%arg14 : memref<4x3072xf32, #tpu.memory_space<vmem>>) target_semaphore(%arg20 : memref<!tpu.dma_semaphore, #tpu.memory_space<semaphore_mem>>)
      %dma_start3A_155 = arith.constant 0 : i32
      %dma_start3A_156 = tpu.memref_slice %arg3[%add3A_150, %dma_start3A_155] : memref<4096x2048xf32, #tpu.memory_space<hbm>> -> memref<4x2048xf32, #tpu.memory_space<hbm>>
      %dma_start3A_157 = arith.constant 0 : i32
      %dma_start3A_158 = tpu.memref_slice %arg3[%add3A_150, %dma_start3A_157] : memref<4096x2048xf32, #tpu.memory_space<hbm>> -> memref<4x2048xf32, #tpu.memory_space<hbm>>
      tpu.enqueue_dma source(%dma_start3A_158 : memref<4x2048xf32, #tpu.memory_space<hbm>>) target(%arg16 : memref<4x2048xf32, #tpu.memory_space<vmem>>) target_semaphore(%arg22 : memref<!tpu.dma_semaphore, #tpu.memory_space<semaphore_mem>>)
      %mul3A_159 = arith.constant 4 : i32
      %mul3A_160 = arith.muli %add3A_116, %mul3A_159 : i32
      %add3A_161 = arith.addi %mul3A_2, %mul3A_160 : i32
      %dma_start3A_162 = arith.constant 0 : i32
      %dma_start3A_163 = tpu.memref_slice %arg8[%add3A_161, %dma_start3A_162] : memref<4096x3584xf32, #tpu.memory_space<hbm>> -> memref<4x3584xf32, #tpu.memory_space<hbm>>
      %dma_start3A_164 = arith.constant 0 : i32
      %dma_start3A_165 = tpu.memref_slice %arg8[%add3A_161, %dma_start3A_164] : memref<4096x3584xf32, #tpu.memory_space<hbm>> -> memref<4x3584xf32, #tpu.memory_space<hbm>>
      tpu.enqueue_dma source(%arg18 : memref<4x3584xf32, #tpu.memory_space<vmem>>) target(%dma_start3A_165 : memref<4x3584xf32, #tpu.memory_space<hbm>>) target_semaphore(%arg24 : memref<!tpu.dma_semaphore, #tpu.memory_space<semaphore_mem>>)
      %scan3A_166 = arith.constant 0 : i32
      scf.yield %scan3A_166 : i32
    }
    %scan3A_27 = arith.constant 16 : i32
    %dma_wait3A = arith.constant 0 : i32
    %dma_wait3A_28 = arith.constant 0 : i32
    %dma_wait3A_29 = tpu.memref_slice %arg2[%dma_wait3A, %dma_wait3A_28] : memref<4096x3072xf32, #tpu.memory_space<hbm>> -> memref<4x3072xf32, #tpu.memory_space<hbm>>
    %dma_wait3A_30 = arith.constant 0 : i32
    %dma_wait3A_31 = arith.constant 0 : i32
    %dma_wait3A_32 = tpu.memref_slice %arg2[%dma_wait3A_30, %dma_wait3A_31] : memref<4096x3072xf32, #tpu.memory_space<hbm>> -> memref<4x3072xf32, #tpu.memory_space<hbm>>
    tpu.wait_dma2 semaphore(%arg19 : memref<!tpu.dma_semaphore, #tpu.memory_space<semaphore_mem>>) src(%dma_wait3A_32 : memref<4x3072xf32, #tpu.memory_space<hbm>>) dst(%arg13 : memref<4x3072xf32, #tpu.memory_space<vmem>>)
    %dma_wait3A_33 = arith.constant 0 : i32
    %dma_wait3A_34 = arith.constant 0 : i32
    %dma_wait3A_35 = tpu.memref_slice %arg3[%dma_wait3A_33, %dma_wait3A_34] : memref<4096x2048xf32, #tpu.memory_space<hbm>> -> memref<4x2048xf32, #tpu.memory_space<hbm>>
    %dma_wait3A_36 = arith.constant 0 : i32
    %dma_wait3A_37 = arith.constant 0 : i32
    %dma_wait3A_38 = tpu.memref_slice %arg3[%dma_wait3A_36, %dma_wait3A_37] : memref<4096x2048xf32, #tpu.memory_space<hbm>> -> memref<4x2048xf32, #tpu.memory_space<hbm>>
    tpu.wait_dma2 semaphore(%arg21 : memref<!tpu.dma_semaphore, #tpu.memory_space<semaphore_mem>>) src(%dma_wait3A_38 : memref<4x2048xf32, #tpu.memory_space<hbm>>) dst(%arg15 : memref<4x2048xf32, #tpu.memory_space<vmem>>)
    %dma_wait3A_39 = arith.constant 0 : i32
    %dma_wait3A_40 = arith.constant 0 : i32
    %dma_wait3A_41 = tpu.memref_slice %arg8[%dma_wait3A_39, %dma_wait3A_40] : memref<4096x3584xf32, #tpu.memory_space<hbm>> -> memref<4x3584xf32, #tpu.memory_space<hbm>>
    %dma_wait3A_42 = arith.constant 0 : i32
    %dma_wait3A_43 = arith.constant 0 : i32
    %dma_wait3A_44 = tpu.memref_slice %arg8[%dma_wait3A_42, %dma_wait3A_43] : memref<4096x3584xf32, #tpu.memory_space<hbm>> -> memref<4x3584xf32, #tpu.memory_space<hbm>>
    tpu.wait_dma2 semaphore(%arg23 : memref<!tpu.dma_semaphore, #tpu.memory_space<semaphore_mem>>) src(%arg17 : memref<4x3584xf32, #tpu.memory_space<vmem>>) dst(%dma_wait3A_44 : memref<4x3584xf32, #tpu.memory_space<hbm>>)
    %dma_wait3A_45 = arith.constant 0 : i32
    %dma_wait3A_46 = arith.constant 0 : i32
    %dma_wait3A_47 = tpu.memref_slice %arg2[%dma_wait3A_45, %dma_wait3A_46] : memref<4096x3072xf32, #tpu.memory_space<hbm>> -> memref<4x3072xf32, #tpu.memory_space<hbm>>
    %dma_wait3A_48 = arith.constant 0 : i32
    %dma_wait3A_49 = arith.constant 0 : i32
    %dma_wait3A_50 = tpu.memref_slice %arg2[%dma_wait3A_48, %dma_wait3A_49] : memref<4096x3072xf32, #tpu.memory_space<hbm>> -> memref<4x3072xf32, #tpu.memory_space<hbm>>
    tpu.wait_dma2 semaphore(%arg20 : memref<!tpu.dma_semaphore, #tpu.memory_space<semaphore_mem>>) src(%dma_wait3A_50 : memref<4x3072xf32, #tpu.memory_space<hbm>>) dst(%arg14 : memref<4x3072xf32, #tpu.memory_space<vmem>>)
    %dma_wait3A_51 = arith.constant 0 : i32
    %dma_wait3A_52 = arith.constant 0 : i32
    %dma_wait3A_53 = tpu.memref_slice %arg3[%dma_wait3A_51, %dma_wait3A_52] : memref<4096x2048xf32, #tpu.memory_space<hbm>> -> memref<4x2048xf32, #tpu.memory_space<hbm>>
    %dma_wait3A_54 = arith.constant 0 : i32
    %dma_wait3A_55 = arith.constant 0 : i32
    %dma_wait3A_56 = tpu.memref_slice %arg3[%dma_wait3A_54, %dma_wait3A_55] : memref<4096x2048xf32, #tpu.memory_space<hbm>> -> memref<4x2048xf32, #tpu.memory_space<hbm>>
    tpu.wait_dma2 semaphore(%arg22 : memref<!tpu.dma_semaphore, #tpu.memory_space<semaphore_mem>>) src(%dma_wait3A_56 : memref<4x2048xf32, #tpu.memory_space<hbm>>) dst(%arg16 : memref<4x2048xf32, #tpu.memory_space<vmem>>)
    %dma_wait3A_57 = arith.constant 0 : i32
    %dma_wait3A_58 = arith.constant 0 : i32
    %dma_wait3A_59 = tpu.memref_slice %arg8[%dma_wait3A_57, %dma_wait3A_58] : memref<4096x3584xf32, #tpu.memory_space<hbm>> -> memref<4x3584xf32, #tpu.memory_space<hbm>>
    %dma_wait3A_60 = arith.constant 0 : i32
    %dma_wait3A_61 = arith.constant 0 : i32
    %dma_wait3A_62 = tpu.memref_slice %arg8[%dma_wait3A_60, %dma_wait3A_61] : memref<4096x3584xf32, #tpu.memory_space<hbm>> -> memref<4x3584xf32, #tpu.memory_space<hbm>>
    tpu.wait_dma2 semaphore(%arg24 : memref<!tpu.dma_semaphore, #tpu.memory_space<semaphore_mem>>) src(%arg18 : memref<4x3584xf32, #tpu.memory_space<vmem>>) dst(%dma_wait3A_62 : memref<4x3584xf32, #tpu.memory_space<hbm>>)
    return
  }
}

</mosaic_0001>

<sc_bundles>
// kernel: kernel.3.cloned.1.call-start
scs
__scs_entry_jumppad:
0x0: {  	(pc) =	sbr.rel $0x88, $3  }
0x1: {  	(tag) =	ssettag $0x0;
	lr =	simm.s32 $0x1  }
0x2: {  	[smem:$0x3F9C] =	sst lr;
	_ =	strace $0xD0000000  }
0x3: {  	_ = 	snop  }
0x4: {  	_ = 	snop  }
0x5: {  	_ = 	snop  }
0x6: {  	_ = 	snop  }
0x7: {  	_ = 	snop  }
__scs_overlays_trampoline_lowered:
0x8: {  	[smem:$0x3FAB] =	sst s0  }
0x9: {  	[smem:$0x3FAC] =	sst s1  }
0xa: {  	[smem:$0x3FAD] =	sst s2  }
0xb: {  	[smem:$0x3FAE] =	sst s3  }
0xc: {  	[smem:$0x3FAF] =	sst s4  }
0xd: {  	[smem:$0x3FB0] =	sst s5  }
0xe: {  	[smem:$0x3FB1] =	sst s6  }
0xf: {  	[smem:$0x3FB2] =	sst s7  }
0x10: {  	[smem:$0x3FB3] =	sst s8  }
0x11: {  	[smem:$0x3FB4] =	sst s9;
	s0 =	simm.s32 @!p0 $0x0  }
0x12: {  	s1 =	sld [smem:$0x3F9A];
	s0 =	simm.s32 @p0 $0x1  }
0x13: {  	[smem:$0x3FB5] =	sst s0;
	s0 =	simm.s32 @!p1 $0x0  }
0x14: {  	s2 =	sld [smem:$0x3F99];
	s0 =	simm.s32 @p1 $0x1  }
0x15: {  	[smem:$0x3FB6] =	sst s0;
	s0 =	simm.s32 @!p2 $0x0  }
0x16: {  	s3 =	sld [smem:$0x3FDB];
	s0 =	simm.s32 @p2 $0x1  }
0x17: {  	s4 =	simm.s32 $0x1BF5;
	[smem:$0x3FB8] =	sst s0  }
0x18: {  	s0 =	sld [smem:$0x3F9B];
	_ =	swait.ge [sflag:s4], $0x0  }
0x19: {  	s7 =	sld [smem:$0x3F9C]  }
0x1a: {  	s8 =	sadd.s32 $0xFFFFE003, lr  }
0x1b: {  	s9 =	sadd.s32 $0xFFFFFEF7, lr;
	s5 =	simm.s32 $0xFFFFFFFF;
	p2 =	slt.u32 s8, $0xFFFFF086  }
0x1c: {  	p1 =	slt.u32 s9, $0xF7A;
	s5 =	simm.s32 @!p2 $0x0  }
0x1d: {  	s5 =	simm.s32 @p1 $0x1;
	p0 =	seq.s32 s7, s2  }
0x1e: {  	s7 =	smul.u32 @!p0 $0xF7A, s2;
	p2 =	seq.s32 @!p0 s5, $0x0  }
0x1f: {  	s9 =	smul.u32 $0xF7A, s1;
	s8 =	simm.s32 @!p0 $0x1BF5;
	p2 =	por !p2, p0  }
0x20: {  	[sflag:s8] =	ssyncset.s32 @!p0 $0xFFFFF086;
	s6 =	sadd.s32 @!p0 s3, s7;
	s7 =	simm.s32 @!p0 $0x108  }
0x21: {  	s3 =	sadd.s32 s3, s9;
	s6 =	sadd.s32 @!p0 $0x88, s6;
	s7 =	simm.s32 @p2 $0x1082  }
0x22: {  	[simem:s7], [sflag:s8] =	dma.local @!p0 [hbm:s6], $0xF7A  }
0x23: {  	s9 =	sor.u32 $0xD0000000, s2;
	s6 =	simm.s32 $0x108;
	_ =	swait.ge @!p0 [sflag:s8], $0x0  }
0x24: {  	s3 =	sadd.s32 $0x88, s3;
	s6 =	simm.s32 @!p1 $0x1082;
	[sflag:s4] =	ssyncset.s32 $0xFFFFF086  }
0x25: {  	[simem:s6], [sflag:s4] =	dma.local [hbm:s3], $0xF7A  }
0x26: {  	[smem:$0x3F9C] =	sst s1;
	(tag) =	ssettag s2;
	_ =	strace s9  }
0x27: {  	s1 =	sld [smem:$0x3FAC]  }
0x28: {  	s2 =	sld [smem:$0x3FAD]  }
0x29: {  	s4 =	sld [smem:$0x3FAF]  }
0x2a: {  	p0 =	seq.s32 s5, $0x0;
	s5 =	sld [smem:$0x3FB0]  }
0x2b: {  	s6 =	sld [smem:$0x3FB1]  }
0x2c: {  	s7 =	sld [smem:$0x3FB2]  }
0x2d: {  	s3 =	simm.s32 $0x108;
	s8 =	sld [smem:$0x3FB3]  }
0x2e: {  	s3 =	simm.s32 @!p0 $0x1082;
	s9 =	sld [smem:$0x3FB4]  }
0x2f: {  	lr =	sadd.s32 s0, s3;
	s0 =	sld [smem:$0x3FAB]  }
0x30: {  	s3 =	sld [smem:$0x3FAE]  }
0x31: {  	[smem:$0x3FB7] =	sst s10  }
0x32: {  	s10 =	sld [smem:$0x3FB5];
	_ =	sdelay $0x3  }
0x33: {  	p0 =	seq.s32 s10, $0x1;
	s10 =	sld [smem:$0x3FB7];
	_ =	sdelay $0x3  }
0x34: {  	[smem:$0x3FB7] =	sst s10  }
0x35: {  	s10 =	sld [smem:$0x3FB6];
	_ =	sdelay $0x3  }
0x36: {  	p1 =	seq.s32 s10, $0x1;
	s10 =	sld [smem:$0x3FB7];
	_ =	sdelay $0x3  }
0x37: {  	[smem:$0x3FB7] =	sst s10  }
0x38: {  	s10 =	sld [smem:$0x3FB8]  }
0x39: {  	_ = 	snop;
	(pc) =	sbr.ind lr, $3  }
0x3a: {  	_ = 	snop  }
0x3b: {  	_ = 	snop  }
0x3c: {  	p2 =	seq.s32 s10, $0x1;
	s10 =	sld [smem:$0x3FB7]  }
0x3d: {  	_ =	shalt  }
0x3e: {  	_ =	shalt  }
0x3f: {  	_ =	shalt  }
0x40: {  	_ =	shalt  }
0x41: {  	_ =	shalt  }
0x42: {  	_ =	shalt  }
0x43: {  	_ =	shalt  }
0x44: {  	_ =	shalt  }
0x45: {  	_ =	shalt  }
0x46: {  	_ =	shalt  }
0x47: {  	_ =	shalt  }
0x48: {  	_ =	shalt  }
0x49: {  	_ =	shalt  }
0x4a: {  	_ =	shalt  }
0x4b: {  	_ =	shalt  }
0x4c: {  	_ =	shalt  }
0x4d: {  	_ =	shalt  }
0x4e: {  	_ =	shalt  }
0x4f: {  	_ =	shalt  }
0x50: {  	_ =	shalt  }
0x51: {  	_ =	shalt  }
0x52: {  	_ =	shalt  }
0x53: {  	_ =	shalt  }
0x54: {  	_ =	shalt  }
0x55: {  	_ =	shalt  }
0x56: {  	_ =	shalt  }
0x57: {  	_ =	shalt  }
0x58: {  	_ =	shalt  }
0x59: {  	_ =	shalt  }
0x5a: {  	_ =	shalt  }
0x5b: {  	_ =	shalt  }
0x5c: {  	_ =	shalt  }
0x5d: {  	_ =	shalt  }
0x5e: {  	_ =	shalt  }
0x5f: {  	_ =	shalt  }
0x60: {  	_ =	shalt  }
0x61: {  	_ =	shalt  }
0x62: {  	_ =	shalt  }
0x63: {  	_ =	shalt  }
0x64: {  	_ =	shalt  }
0x65: {  	_ =	shalt  }
0x66: {  	_ =	shalt  }
0x67: {  	_ =	shalt  }
0x68: {  	_ =	shalt  }
0x69: {  	_ =	shalt  }
0x6a: {  	_ =	shalt  }
0x6b: {  	_ =	shalt  }
0x6c: {  	_ =	shalt  }
0x6d: {  	_ =	shalt  }
0x6e: {  	_ =	shalt  }
0x6f: {  	_ =	shalt  }
0x70: {  	_ =	shalt  }
0x71: {  	_ =	shalt  }
0x72: {  	_ =	shalt  }
0x73: {  	_ =	shalt  }
0x74: {  	_ =	shalt  }
0x75: {  	_ =	shalt  }
0x76: {  	_ =	shalt  }
0x77: {  	_ =	shalt  }
0x78: {  	_ =	shalt  }
0x79: {  	_ =	shalt  }
0x7a: {  	_ =	shalt  }
0x7b: {  	_ =	shalt  }
0x7c: {  	_ =	shalt  }
0x7d: {  	_ =	shalt  }
0x7e: {  	_ =	shalt  }
0x7f: {  	_ =	shalt  }
0x80: {  	_ =	shalt  }
0x81: {  	_ =	shalt  }
0x82: {  	_ =	shalt  }
0x83: {  	_ =	shalt  }
0x84: {  	_ =	shalt  }
0x85: {  	_ =	shalt  }
0x86: {  	_ =	shalt  }
0x87: {  	_ =	shalt  }
.Lfunc_end0:
.L_simem_size_0:
called_computation_lowered:
.L_overlay_start_0:
0x88: {  	s2 =	sld [smem:$0x3FD9]  }
0x89: {  	s3 =	sld [smem:$0x3FFE];
	_ =	sdelay $0x1  }
0x8a: {  	s1 =	srdreg.scid  }
0x8b: {  	s0 =	sand.u32 $0x1, s1  }
0x8c: {  	s17 =	sshll.u32 s0, $0xA;
	s2 =	sadd.s32 s3, s2  }
0x8d: {  	s2 =	sadd.s32 s2, s17  }
0x8e: {  	[smem:$0x3FC3] =	sst s2  }
0x8f: {  	_ = 	snop  }
0x90: {  	s2 =	sld [smem:$0x3FC9]  }
0x91: {  	s18 =	sld [smem:$0x3FC8]  }
0x92: {  	s4 =	sld [smem:$0x3FD0];
	(tm) =	ssettm $0x1  }
0x93: {  	s5 =	sld [smem:$0x3FFB];
	_ =	sdelay $0x3  }
0x94: {  	_ =	strace s5  }
0x95: {  	s5 =	sld [smem:$0x3FFC];
	_ =	sdelay $0x3  }
0x96: {  	_ =	strace s5  }
0x97: {  	s5 =	sld [smem:$0x3FFD];
	_ =	sdelay $0x3  }
0x98: {  	_ =	strace s5  }
0x99: {  	_ =	strace $0x8FFFFFFF  }
0x9a: {  	s19 =	sld [smem:$0x3FDB];
	_ =	sdelay $0x1  }
0x9b: {  	s6 =	simm.s32 $_scs_section_size  }
0x9c: {  	s7 =	simm.s32 $_size__tile_overlayer_lowered;
	s8 =	simm.s32 $_tile_overlayer_lowered  }
0x9d: {  	s22 =	simm.s32 $0x1BFF;
	s21 =	sshll.u32 s8, $0x1;
	s5 =	sadd.s32 s6, s19  }
0x9e: {  	s9 =	simm.s32 $0x0;
	s20 =	sshll.u32 s7, $0x1;
	s7 =	sadd.s32 s21, s5  }
0x9f: {  	[timem:s9], [sflag:s22] =	dma.local [hbm:s7], s20  }
0xa0: {  	_ =	swait.ge [sflag:s22], s20  }
0xa1: {  	s6 =	ssub.s32 $0x0, s20;
	[sflag:s22] =	ssyncset.done $0x0  }
0xa2: {  	[sflag:s22] =	ssyncadd.s32 s6;
	_ =	sdelay $0x1  }
0xa3: {  	s23 =	simm.s32 $0x1B8B  }
0xa4: {  	_ =	swait.ge [sflag:s23], $0x1  }
0xa5: {  	[sflag:s23] =	ssyncset.done $0x0  }
0xa6: {  	s25 =	simm.s32 $0x1B8E;
	s24 =	sld [smem:$0x3FFE];
	[sflag:s23] =	ssyncadd.s32 $0xFFFFFFFF  }
0xa7: {  	s26 =	simm.s32 $execute0_lowered;
	[smem:$0x3FD2] =	sst s25  }
0xa8: {  	s7 =	sshll.u32 s26, $0x1;
	_ =	strace $0x80000046;
	[dreg:$0x1] =	wrdreg $0xFFFFFFFF  }
0xa9: {  	s28 =	simm.s32 $_size_execute0_lowered;
	s5 =	sadd.s32 s5, s7;
	[dreg:$0x0] =	wrdreg $0x0  }
0xaa: {  	s7 =	sshll.u32 s28, $0x1;
	[dreg:$0x2] =	wrdreg s5  }
0xab: {  	[dreg:$0x3] =	wrdreg s7  }
0xac: {  	[dreg:$0x4] =	wrdreg $0xC0  }
0xad: {  	_ =	task [dreg:s9], $0x5FFFF  }
0xae: {  	[dreg:$0x1] =	wrdreg $0xFFFFFFFF  }
0xaf: {  	[dreg:$0x0] =	wrdreg $0x60  }
0xb0: {  	[dreg:$0x2] =	wrdreg s2  }
0xb1: {  	[dreg:$0x3] =	wrdreg s18  }
0xb2: {  	[dreg:$0x4] =	wrdreg s24  }
0xb3: {  	[dreg:$0x5] =	wrdreg s4  }
0xb4: {  	[dreg:$0x6] =	wrdreg $0x9  }
0xb5: {  	_ =	task.clear_ibuf [dreg:s9], $0x7FFFF;
	_ =	strace $0x90000046  }
0xb6: {  	s29 =	simm.s32 $0x9;
	_ =	strace $0x80000048  }
0xb7: {  	_ =	swait.ge [sflag:s29], $0x1  }
0xb8: {  	[sflag:s29] =	ssyncadd.s32 $0xFFFFFFFF  }
0xb9: {  	_ =	strace $0x90000048  }
0xba: {  	_ =	sfence  }
0xbb: {  	s30 =	sld [smem:$0x0];
	_ =	sdelay $0x2  }
0xbc: {  	s31 =	sshll.u32 s1, $0xD;
	s1 =	sshrl.u32 s1, $0x2  }
0xbd: {  	s3 =	sand.u32 $0x4000, s31;
	s1 =	sadd.s32 s1, s30  }
0xbe: {  	s0 =	sor.u32 s3, s0;
	s1 =	sshll.u32 s1, $0x11  }
0xbf: {  	s0 =	sor.u32 s1, s0  }
0xc0: {  	s0 =	sadd.s32 $0x8F2B, s0  }
0xc1: {  	[sflag:s0] =	ssyncadd.remote.s32 $0x1  }
0xc2: {  	_ =	sfence.sel $0xFFFF  }
0xc3: {  	[dreg:$0x0] =	wrdreg $0xFFFFFFFF;
	(pc) =	sbr.abs _section_cstart, $3  }
0xc4: {  	[dreg:$0x1] =	wrdreg $0xFFFFFFFF  }
0xc5: {  	_ =	task.clear_ibuf [dreg:s9], $0x2FFFF;
	_ =	strace $0x9FFFFFFF  }
0xc6: {  	(tm) =	ssettm $0x7FFFFFFF  }
0xc7: {  	_ =	shalt  }
tec
execute0_lowered:
.L_overlay_start_1:
0x0: {  	(tag) =	ssettag $0x1  }
0x1: {  	s2 =	rddreg [dreg:$0x0]  }
0x2: {  	s6 =	rddreg [dreg:$0x1]  }
0x3: {  	s0 =	srdreg.scid;
	s5 =	rddreg [dreg:$0x2]  }
0x4: {  	s1 =	stileid.u32;
	s9 =	rddreg [dreg:$0x3];
	s16 =	simm.s32 $0x0  }
0x5: {  	s28 =	simm.s32 $0x9800;
	s29 =	simm.s32 $0x6800;
	s30 =	simm.s32 $0xB800  }
0x6: {  	s31 =	simm.s32 $0x1;
	s0 =	sand.u32 $0x1, s0;
	s3 =	sshll.u32 s1, $0x8  }
0x7: {  	[smem:$0x7FF] =	sst s16;
	s18 =	sadd.s32 $0x600, s5;
	s19 =	sadd.s32 $0x400, s5  }
0x8: {  	s21 =	sadd.s32 $0x200, s5;
	s13 =	sadd.s32 $0x40, s2;
	s14 =	sadd.s32 $0x40, s6  }
0x9: {  	s5 =	smov.u32 s9;
	_ =	strace $0x80000047;
	[dreg:$0x5] =	wrdreg s18  }
0xa: {  	s4 =	sshll.u32 s0, $0x7;
	s0 =	ssub.s32 $0x2, s0;
	[dreg:$0x6] =	wrdreg s19  }
0xb: {  	[dreg:$0x7] =	wrdreg s21;
	s18 =	sadd.s32 $0x40, s9;
	s7 =	sor.u32 s4, s3  }
0xc: {  	s21 =	simm.s32 $0x2;
	s20 =	sshrl.u32 s0, $0x1;
	s23 =	sshll.u32 s7, $0x8  }
0xd: {  	s3 =	simm.s32 $0x3;
	s8 =	sshrl.u32 s7, $0x3;
	s24 =	sadd.s32 s6, s23  }
0xe: {  	s0 =	ssub.s32 s0, s20;
	s26 =	sadd.s32 s23, s14;
	[dreg:$0x9] =	wrdreg s24  }
0xf: {  	s17 =	smul.u32 $0xC00, s8;
	s0 =	smax.u32 s0, $0x1;
	[dreg:$0xb] =	wrdreg s26  }
0x10: {  	s4 =	simm.s32 $0x0;
	s23 =	simm.s32 $0x11000;
	[dreg:$0xc] =	wrdreg s0  }
0x11: {  	s24 =	simm.s32 $0x200;
	s26 =	simm.s32 $0x3800;
	s22 =	sadd.s32 s2, s17  }
0x12: {  	s0 =	simm.s32 $0xD800;
	s25 =	sadd.s32 s17, s13;
	[dreg:$0x8] =	wrdreg s22  }
0x13: {  	[dreg:$0xa] =	wrdreg s25;
	s25 =	simm.s32 $0x400;
	s22 =	simm.s32 $0x4  }
.LBB2_1:
0x14: {  	[dreg:$0xd] =	wrdreg s4  }
0x15: {  	s2 =	simm.s32 $0x0;
	s1 =	rddreg [dreg:$0x5];
	s20 =	simm.s32 $0x7  }
0x16: {  	[tilespmem:s2], [sflag:$0x7] =	stream.linear.gather [hbm4b:s1+s2], $0xE00, $0x38;
	[tilespmem:$0x14800] =	vst v63  }
0x17: {  	_ =	swait.ge [sflag:s20], $0xE00  }
0x18: {  	[sflag:s20] =	ssyncset.done $0x0  }
0x19: {  	s6 =	simm.s32 $0xE00;
	s9 =	rddreg [dreg:$0x6];
	[sflag:s20] =	ssyncadd.s32 $0xFFFFF200  }
0x1a: {  	[tilespmem:s6], [sflag:$0x7] =	stream.linear.gather [hbm4b:s9+s2], $0xE00, $0x38;
	[tilespmem:$0x14800] =	vst v63  }
0x1b: {  	_ =	swait.ge [sflag:s20], $0xE00  }
0x1c: {  	[sflag:s20] =	ssyncset.done $0x0  }
0x1d: {  	s11 =	simm.s32 $0x1C00;
	s10 =	rddreg [dreg:$0x7];
	[sflag:s20] =	ssyncadd.s32 $0xFFFFF200  }
0x1e: {  	[tilespmem:s11], [sflag:$0x7] =	stream.linear.gather [hbm4b:s10+s2], $0xE00, $0x38;
	[tilespmem:$0x14800] =	vst v63  }
0x1f: {  	_ =	swait.ge [sflag:s20], $0xE00  }
0x20: {  	[sflag:s20] =	ssyncset.done $0x0  }
0x21: {  	[sflag:s20] =	ssyncadd.s32 $0xFFFFF200  }
0x22: {  	s15 =	simm.s32 $0x2A00;
	s12 =	rddreg [dreg:$0x2]  }
0x23: {  	[tilespmem:s15], [sflag:$0x7] =	stream.linear.gather [hbm4b:s12+s2], $0xE00, $0x38;
	[tilespmem:$0x14800] =	vst v63  }
0x24: {  	_ =	swait.ge [sflag:s20], $0xE00  }
0x25: {  	[sflag:s20] =	ssyncset.done $0x0  }
0x26: {  	s16 =	rddreg [dreg:$0x8];
	[sflag:s20] =	ssyncadd.s32 $0xFFFFF200  }
0x27: {  	[tilespmem:s26], [sflag:$0x1] =	stream.strided.gather [hbm4b:s16+s24], $0x3000, s25, s24, $0x38;
	[tilespmem:$0x14800] =	vst v63  }
0x28: {  	s17 =	rddreg [dreg:$0x9]  }
0x29: {  	[tilespmem:s28], [sflag:$0x3] =	stream.strided.gather [hbm4b:s17+s24], $0x2000, s25, s24, $0x38;
	[tilespmem:$0x14800] =	vst v63  }
0x2a: {  	s19 =	rddreg [dreg:$0xa]  }
0x2b: {  	[tilespmem:s29], [sflag:$0x2] =	stream.strided.gather [hbm4b:s19+s24], $0x3000, s25, s24, $0x38;
	[tilespmem:$0x14800] =	vst v63  }
0x2c: {  	s11 =	simm.s32 $0x0;
	s20 =	rddreg [dreg:$0xb]  }
0x2d: {  	[tilespmem:s30], [sflag:$0x4] =	stream.strided.gather [hbm4b:s20+s24], $0x2000, s25, s24, $0x38;
	[tilespmem:$0x14800] =	vst v63  }
.LBB2_2:
0x2e: {  	_ =	swait.ge [sflag:s31], $0x3000  }
0x2f: {  	[sflag:s31] =	ssyncset.done $0x0  }
0x30: {  	[sflag:s31] =	ssyncadd.s32 $0xFFFFD000  }
0x31: {  	_ =	swait.ge [sflag:s3], $0x2000  }
0x32: {  	p0 =	seq.s32 s11, $0x0;
	[sflag:s3] =	ssyncset.done $0x0  }
0x33: {  	s4 =	simm.s32 @!p0 $0x5;
	[sflag:s3] =	ssyncadd.s32 $0xFFFFE000  }
0x34: {  	_ =	swait.ge @!p0 [sflag:s4], $0x3800  }
0x35: {  	s12 =	simm.s32 $0xFFFFFFFE;
	s15 =	simm.s32 $0x0;
	[sflag:s4] =	ssyncset.done @!p0 $0x0  }
0x36: {  	s16 =	simm.s32 $0x0;
	[sflag:s4] =	ssyncadd.s32 @!p0 $0xFFFFC800;
	s4 =	simm.s32 $0x0  }
.LBB2_3:
0x37: {  	s9 =	sshra.s32 s4, $0x2  }
0x38: {  	v0 =	vld [tilespmem:s9+$0x0]  }
0x39: {  	v1 =	vld [tilespmem:s9+$0xE00];
	_ =	sdelay $0x3  }
0x3a: {  	v2 =	vshll.u32 v0, $0x2  }
0x3b: {  	v0 =	vand.u32 $0x7F, v0;
	v3 =	vshll.u32 v1, $0x2;
	v2 =	vand.u32 $0xFFFFFE00, v2  }
0x3c: {  	v1 =	vand.u32 $0x7F, v1;
	v44 =	vand.u32 $0xFFFFFE00, v3;
	v0 =	vor.u32 v0, v2  }
0x3d: {  	v1 =	vor.u32 v1, v44;
	_ =	sdelay $0x1  }
0x3e: {  	v45 =	vld [tilespmem:s9+$0x1C00]  }
0x3f: {  	v46 =	vld [tilespmem:s9+$0x2A00]  }
0x40: {  	v4 =	vld.idx.msk [tilespmem:v0+s26+$0x0], $0xffff  }
0x41: {  	v5 =	vld.idx.msk [tilespmem:v1+s28+$0x0], $0xffff;
	_ =	sdelay $0x4  }
0x42: {  	v6 =	vor.u32 $0x80, v0;
	v4 =	vmul.f32 v4, v45;
	v5 =	vmul.f32 v5, v46  }
0x43: {  	s2 =	sand.u32 $0x3E00, s4;
	v7 =	vor.u32 $0x80, v1  }
0x44: {  	s17 =	sand.u32 $0x60, s15;
	s9 =	sadd.s32 $0xD800, s2;
	v4 =	vadd.f32 v5, v4  }
0x45: {  	s19 =	sor.u32 s17, s9  }
0x46: {  	[tilespmem:s19+$0x0] =	vst v4  }
0x47: {  	v4 =	vld.idx.msk [tilespmem:v6+s26+$0x0], $0xffff  }
0x48: {  	v47 =	vld.idx.msk [tilespmem:v7+s28+$0x0], $0xffff;
	_ =	sdelay $0x4  }
0x49: {  	v48 =	vor.u32 $0x100, v0;
	v4 =	vmul.f32 v4, v45;
	v5 =	vmul.f32 v47, v46  }
0x4a: {  	v49 =	vor.u32 $0x100, v1  }
0x4b: {  	v4 =	vadd.f32 v5, v4;
	_ =	sdelay $0x1  }
0x4c: {  	[tilespmem:s19+$0x80] =	vst v4  }
0x4d: {  	v4 =	vld.idx.msk [tilespmem:v48+s26+$0x0], $0xffff  }
0x4e: {  	v50 =	vld.idx.msk [tilespmem:v49+s28+$0x0], $0xffff;
	_ =	sdelay $0x4  }
0x4f: {  	v0 =	vor.u32 $0x180, v0;
	v4 =	vmul.f32 v4, v45;
	v5 =	vmul.f32 v50, v46  }
0x50: {  	v1 =	vor.u32 $0x180, v1  }
0x51: {  	v4 =	vadd.f32 v5, v4;
	_ =	sdelay $0x1  }
0x52: {  	[tilespmem:s19+$0x100] =	vst v4  }
0x53: {  	v0 =	vld.idx.msk [tilespmem:v0+s26+$0x0], $0xffff  }
0x54: {  	v1 =	vld.idx.msk [tilespmem:v1+s28+$0x0], $0xffff;
	_ =	sdelay $0x4  }
0x55: {  	s6 =	sand.u32 $0x3, s16;
	v0 =	vmul.f32 v0, v45;
	v1 =	vmul.f32 v1, v46  }
0x56: {  	s19 =	sshll.u32 s6, $0x5  }
0x57: {  	s19 =	sadd.s32 s19, s4;
	v0 =	vadd.f32 v1, v0  }
0x58: {  	s20 =	sand.u32 $0xF80, s15;
	s17 =	sor.u32 $0x10, s17;
	s6 =	sor.u32 $0x180, s19  }
0x59: {  	s10 =	sor.u32 s20, s17;
	[tilespmem:s6+$0xD800] =	vst v0  }
0x5a: {  	v0 =	vld [tilespmem:s10+$0x0]  }
0x5b: {  	v51 =	vld [tilespmem:s10+$0xE00];
	_ =	sdelay $0x3  }
0x5c: {  	v52 =	vshll.u32 v0, $0x2  }
0x5d: {  	v0 =	vand.u32 $0x7F, v0;
	v53 =	vshll.u32 v51, $0x2;
	v2 =	vand.u32 $0xFFFFFE00, v52  }
0x5e: {  	v1 =	vand.u32 $0x7F, v51;
	v54 =	vand.u32 $0xFFFFFE00, v53;
	v0 =	vor.u32 v0, v2  }
0x5f: {  	v1 =	vor.u32 v1, v54;
	_ =	sdelay $0x1  }
0x60: {  	v55 =	vld [tilespmem:s10+$0x1C00]  }
0x61: {  	v56 =	vld [tilespmem:s10+$0x2A00]  }
0x62: {  	v4 =	vld.idx.msk [tilespmem:v0+s26+$0x0], $0xffff  }
0x63: {  	v57 =	vld.idx.msk [tilespmem:v1+s28+$0x0], $0xffff;
	_ =	sdelay $0x4  }
0x64: {  	v58 =	vor.u32 $0x80, v0;
	v4 =	vmul.f32 v4, v55;
	v5 =	vmul.f32 v57, v56  }
0x65: {  	v59 =	vor.u32 $0x80, v1  }
0x66: {  	v4 =	vadd.f32 v5, v4  }
0x67: {  	s17 =	sor.u32 s17, s9  }
0x68: {  	[tilespmem:s17+$0x0] =	vst v4  }
0x69: {  	v4 =	vld.idx.msk [tilespmem:v58+s26+$0x0], $0xffff  }
0x6a: {  	v60 =	vld.idx.msk [tilespmem:v59+s28+$0x0], $0xffff;
	_ =	sdelay $0x4  }
0x6b: {  	v61 =	vor.u32 $0x100, v0;
	v4 =	vmul.f32 v4, v55;
	v5 =	vmul.f32 v60, v56  }
0x6c: {  	v62 =	vor.u32 $0x100, v1  }
0x6d: {  	v4 =	vadd.f32 v5, v4;
	_ =	sdelay $0x1  }
0x6e: {  	[tilespmem:s17+$0x80] =	vst v4  }
0x6f: {  	v4 =	vld.idx.msk [tilespmem:v61+s26+$0x0], $0xffff  }
0x70: {  	v63 =	vld.idx.msk [tilespmem:v62+s28+$0x0], $0xffff;
	_ =	sdelay $0x4  }
0x71: {  	v0 =	vor.u32 $0x180, v0;
	v4 =	vmul.f32 v4, v55;
	v5 =	vmul.f32 v63, v56  }
0x72: {  	v1 =	vor.u32 $0x180, v1  }
0x73: {  	v4 =	vadd.f32 v5, v4;
	_ =	sdelay $0x1  }
0x74: {  	[tilespmem:s17+$0x100] =	vst v4  }
0x75: {  	v0 =	vld.idx.msk [tilespmem:v0+s26+$0x0], $0xffff  }
0x76: {  	v1 =	vld.idx.msk [tilespmem:v1+s28+$0x0], $0xffff;
	_ =	sdelay $0x2  }
0x77: {  	s12 =	sadd.s32 $0x2, s12  }
0x78: {  	p1 =	slt.u32 s12, $0xDE  }
.Ltmp0:
0x79: {  	v0 =	vmul.f32 v0, v55;
	v1 =	vmul.f32 v1, v56;
	(pc) =	sbr.rel @p1 .LBB2_3-.Ltmp0, $4  }
0x7a: {  	_ = 	snop  }
0x7b: {  	s20 =	sadd.s32 $0x10, s19;
	v0 =	vadd.f32 v1, v0  }
0x7c: {  	s6 =	sor.u32 $0x180, s20  }
0x7d: {  	s16 =	sadd.s32 $0x1, s16;
	s15 =	sadd.s32 $0x20, s15;
	s4 =	sadd.s32 $0x80, s4;
	[tilespmem:s6+$0xD800] =	vst v0  }
0x7e: {  	s4 =	sshll.u32 s11, $0x3  }
0x7f: {  	p1 =	seq.s32 s11, $0xF;
	s4 =	sadd.s32 $0x8, s4  }
0x80: {  	s4 =	simm.s32 @p1 $0x78  }
0x81: {  	s4 =	sadd.s32 s7, s4  }
0x82: {  	s6 =	sshrl.u32 s4, $0x3  }
0x83: {  	s12 =	smul.u32 $0xC00, s6  }
0x84: {  	s1 =	rddreg [dreg:$0x0];
	s17 =	sor.u32 s8, s11;
	s4 =	sshll.u32 s4, $0x8  }
0x85: {  	s19 =	rddreg [dreg:$0x1];
	s15 =	sand.u32 $0x1FFFF800, s4;
	s6 =	sadd.s32 s1, s12  }
0x86: {  	[tilespmem:s26], [sflag:$0x1] =	stream.strided.gather [hbm4b:s6+s24], $0x3000, s25, s24, $0x38;
	[tilespmem:$0x14800] =	vst v63  }
0x87: {  	s16 =	smul.u32 $0xE00, s17;
	s20 =	sadd.s32 s19, s15  }
0x88: {  	[tilespmem:s28], [sflag:$0x3] =	stream.strided.gather [hbm4b:s20+s24], $0x2000, s25, s24, $0x38;
	[tilespmem:$0x14800] =	vst v63  }
0x89: {  	s4 =	sadd.s32 s5, s16  }
0x8a: {  	[hbm4b:s4+s24] =	stream.strided.scatter [tilespmem:s0], [sflag:$0x5], $0x3800, s25, s24, $0x38;
	[tilespmem:$0x14800] =	vst v63  }
0x8b: {  	_ =	swait.ge [sflag:s21], $0x3000  }
0x8c: {  	[sflag:s21] =	ssyncset.done $0x0  }
0x8d: {  	[sflag:s21] =	ssyncadd.s32 $0xFFFFD000  }
0x8e: {  	_ =	swait.ge [sflag:s22], $0x2000  }
0x8f: {  	[sflag:s22] =	ssyncset.done $0x0  }
0x90: {  	s4 =	simm.s32 @!p0 $0x6;
	[sflag:s22] =	ssyncadd.s32 $0xFFFFE000  }
0x91: {  	_ =	swait.ge @!p0 [sflag:s4], $0x3800  }
0x92: {  	s9 =	simm.s32 $0x0;
	s17 =	simm.s32 $0xFFFFFFFE;
	[sflag:s4] =	ssyncset.done @!p0 $0x0  }
0x93: {  	s19 =	simm.s32 $0x0;
	[sflag:s4] =	ssyncadd.s32 @!p0 $0xFFFFC800;
	s4 =	simm.s32 $0x0  }
.LBB2_5:
0x94: {  	s6 =	sshra.s32 s9, $0x2  }
0x95: {  	v0 =	vld [tilespmem:s6+$0x0]  }
0x96: {  	v1 =	vld [tilespmem:s6+$0xE00];
	_ =	sdelay $0x3  }
0x97: {  	v2 =	vshll.u32 v0, $0x2  }
0x98: {  	v0 =	vand.u32 $0x7F, v0;
	v3 =	vshll.u32 v1, $0x2;
	v2 =	vand.u32 $0xFFFFFE00, v2  }
0x99: {  	v1 =	vand.u32 $0x7F, v1;
	v44 =	vand.u32 $0xFFFFFE00, v3;
	v0 =	vor.u32 v0, v2  }
0x9a: {  	v1 =	vor.u32 v1, v44;
	_ =	sdelay $0x1  }
0x9b: {  	v45 =	vld [tilespmem:s6+$0x1C00]  }
0x9c: {  	v46 =	vld [tilespmem:s6+$0x2A00]  }
0x9d: {  	v4 =	vld.idx.msk [tilespmem:v0+s29+$0x0], $0xffff  }
0x9e: {  	v5 =	vld.idx.msk [tilespmem:v1+s30+$0x0], $0xffff;
	_ =	sdelay $0x4  }
0x9f: {  	v6 =	vor.u32 $0x80, v0;
	v4 =	vmul.f32 v4, v45;
	v5 =	vmul.f32 v5, v46  }
0xa0: {  	s10 =	sand.u32 $0x3E00, s9;
	v7 =	vor.u32 $0x80, v1  }
0xa1: {  	s20 =	sand.u32 $0x60, s19;
	s6 =	sadd.s32 $0x11000, s10;
	v4 =	vadd.f32 v5, v4  }
0xa2: {  	s10 =	sor.u32 s20, s6  }
0xa3: {  	[tilespmem:s10+$0x0] =	vst v4  }
0xa4: {  	v4 =	vld.idx.msk [tilespmem:v6+s29+$0x0], $0xffff  }
0xa5: {  	v47 =	vld.idx.msk [tilespmem:v7+s30+$0x0], $0xffff;
	_ =	sdelay $0x4  }
0xa6: {  	v48 =	vor.u32 $0x100, v0;
	v4 =	vmul.f32 v4, v45;
	v5 =	vmul.f32 v47, v46  }
0xa7: {  	v49 =	vor.u32 $0x100, v1  }
0xa8: {  	v4 =	vadd.f32 v5, v4;
	_ =	sdelay $0x1  }
0xa9: {  	[tilespmem:s10+$0x80] =	vst v4  }
0xaa: {  	v4 =	vld.idx.msk [tilespmem:v48+s29+$0x0], $0xffff  }
0xab: {  	v50 =	vld.idx.msk [tilespmem:v49+s30+$0x0], $0xffff;
	_ =	sdelay $0x4  }
0xac: {  	v0 =	vor.u32 $0x180, v0;
	v4 =	vmul.f32 v4, v45;
	v5 =	vmul.f32 v50, v46  }
0xad: {  	v1 =	vor.u32 $0x180, v1  }
0xae: {  	v4 =	vadd.f32 v5, v4;
	_ =	sdelay $0x1  }
0xaf: {  	[tilespmem:s10+$0x100] =	vst v4  }
0xb0: {  	v0 =	vld.idx.msk [tilespmem:v0+s29+$0x0], $0xffff  }
0xb1: {  	v1 =	vld.idx.msk [tilespmem:v1+s30+$0x0], $0xffff;
	_ =	sdelay $0x4  }
0xb2: {  	s1 =	sand.u32 $0x3, s4;
	v0 =	vmul.f32 v0, v45;
	v1 =	vmul.f32 v1, v46  }
0xb3: {  	s10 =	sshll.u32 s1, $0x5  }
0xb4: {  	s10 =	sadd.s32 s10, s9;
	v0 =	vadd.f32 v1, v0  }
0xb5: {  	s2 =	sand.u32 $0xF80, s19;
	s20 =	sor.u32 $0x10, s20;
	s1 =	sor.u32 $0x180, s10  }
0xb6: {  	s2 =	sor.u32 s2, s20;
	[tilespmem:s1+$0x11000] =	vst v0  }
0xb7: {  	v0 =	vld [tilespmem:s2+$0x0]  }
0xb8: {  	v51 =	vld [tilespmem:s2+$0xE00];
	_ =	sdelay $0x3  }
0xb9: {  	v52 =	vshll.u32 v0, $0x2  }
0xba: {  	v0 =	vand.u32 $0x7F, v0;
	v53 =	vshll.u32 v51, $0x2;
	v2 =	vand.u32 $0xFFFFFE00, v52  }
0xbb: {  	v1 =	vand.u32 $0x7F, v51;
	v54 =	vand.u32 $0xFFFFFE00, v53;
	v0 =	vor.u32 v0, v2  }
0xbc: {  	v1 =	vor.u32 v1, v54;
	_ =	sdelay $0x1  }
0xbd: {  	v55 =	vld [tilespmem:s2+$0x1C00]  }
0xbe: {  	v56 =	vld [tilespmem:s2+$0x2A00]  }
0xbf: {  	v4 =	vld.idx.msk [tilespmem:v0+s29+$0x0], $0xffff  }
0xc0: {  	v57 =	vld.idx.msk [tilespmem:v1+s30+$0x0], $0xffff;
	_ =	sdelay $0x4  }
0xc1: {  	v58 =	vor.u32 $0x80, v0;
	v4 =	vmul.f32 v4, v55;
	v5 =	vmul.f32 v57, v56  }
0xc2: {  	v59 =	vor.u32 $0x80, v1  }
0xc3: {  	v4 =	vadd.f32 v5, v4  }
0xc4: {  	s6 =	sor.u32 s20, s6  }
0xc5: {  	[tilespmem:s6+$0x0] =	vst v4  }
0xc6: {  	v4 =	vld.idx.msk [tilespmem:v58+s29+$0x0], $0xffff  }
0xc7: {  	v60 =	vld.idx.msk [tilespmem:v59+s30+$0x0], $0xffff;
	_ =	sdelay $0x4  }
0xc8: {  	v61 =	vor.u32 $0x100, v0;
	v4 =	vmul.f32 v4, v55;
	v5 =	vmul.f32 v60, v56  }
0xc9: {  	v62 =	vor.u32 $0x100, v1  }
0xca: {  	v4 =	vadd.f32 v5, v4;
	_ =	sdelay $0x1  }
0xcb: {  	[tilespmem:s6+$0x80] =	vst v4  }
0xcc: {  	v4 =	vld.idx.msk [tilespmem:v61+s29+$0x0], $0xffff  }
0xcd: {  	v63 =	vld.idx.msk [tilespmem:v62+s30+$0x0], $0xffff;
	_ =	sdelay $0x4  }
0xce: {  	v0 =	vor.u32 $0x180, v0;
	v4 =	vmul.f32 v4, v55;
	v5 =	vmul.f32 v63, v56  }
0xcf: {  	v1 =	vor.u32 $0x180, v1  }
0xd0: {  	v4 =	vadd.f32 v5, v4;
	_ =	sdelay $0x1  }
0xd1: {  	[tilespmem:s6+$0x100] =	vst v4  }
0xd2: {  	v0 =	vld.idx.msk [tilespmem:v0+s29+$0x0], $0xffff  }
0xd3: {  	v1 =	vld.idx.msk [tilespmem:v1+s30+$0x0], $0xffff;
	_ =	sdelay $0x2  }
0xd4: {  	s17 =	sadd.s32 $0x2, s17  }
0xd5: {  	p0 =	slt.u32 s17, $0xDE  }
.Ltmp1:
0xd6: {  	v0 =	vmul.f32 v0, v55;
	v1 =	vmul.f32 v1, v56;
	(pc) =	sbr.rel @p0 .LBB2_5-.Ltmp1, $4  }
0xd7: {  	_ = 	snop  }
0xd8: {  	s20 =	sadd.s32 $0x10, s10;
	v0 =	vadd.f32 v1, v0  }
0xd9: {  	s1 =	sor.u32 $0x180, s20  }
0xda: {  	s4 =	sadd.s32 $0x1, s4;
	s19 =	sadd.s32 $0x20, s19;
	s9 =	sadd.s32 $0x80, s9;
	[tilespmem:s1+$0x11000] =	vst v0  }
0xdb: {  	s1 =	sadd.s32 s12, s13;
	s11 =	sadd.s32 $0x1, s11  }
0xdc: {  	[tilespmem:s29], [sflag:$0x2] =	stream.strided.gather [hbm4b:s1+s24], $0x3000, s25, s24, $0x38;
	[tilespmem:$0x14800] =	vst v63  }
0xdd: {  	p0 =	sne.s32 s11, $0x10  }
.Ltmp2:
0xde: {  	_ = 	snop;
	(pc) =	sbr.rel @p0 .LBB2_2-.Ltmp2, $4  }
0xdf: {  	s19 =	sadd.s32 s15, s14  }
0xe0: {  	[tilespmem:s30], [sflag:$0x4] =	stream.strided.gather [hbm4b:s19+s24], $0x2000, s25, s24, $0x38;
	[tilespmem:$0x14800] =	vst v63  }
0xe1: {  	s20 =	sadd.s32 s16, s18  }
0xe2: {  	[hbm4b:s20+s24] =	stream.strided.scatter [tilespmem:s23], [sflag:$0x6], $0x3800, s25, s24, $0x38;
	[tilespmem:$0x14800] =	vst v63  }
0xe3: {  	_ =	swait.ge [sflag:s31], $0x3000  }
0xe4: {  	[sflag:s31] =	ssyncset.done $0x0  }
0xe5: {  	[sflag:s31] =	ssyncadd.s32 $0xFFFFD000  }
0xe6: {  	_ =	swait.ge [sflag:s3], $0x2000  }
0xe7: {  	[sflag:s3] =	ssyncset.done $0x0  }
0xe8: {  	s1 =	simm.s32 $0x5;
	[sflag:s3] =	ssyncadd.s32 $0xFFFFE000  }
0xe9: {  	_ =	swait.ge [sflag:s1], $0x3800  }
0xea: {  	[sflag:s1] =	ssyncset.done $0x0  }
0xeb: {  	[sflag:s1] =	ssyncadd.s32 $0xFFFFC800  }
0xec: {  	_ =	swait.ge [sflag:s21], $0x3000  }
0xed: {  	[sflag:s21] =	ssyncset.done $0x0  }
0xee: {  	[sflag:s21] =	ssyncadd.s32 $0xFFFFD000  }
0xef: {  	_ =	swait.ge [sflag:s22], $0x2000  }
0xf0: {  	[sflag:s22] =	ssyncset.done $0x0  }
0xf1: {  	s2 =	simm.s32 $0x6;
	[sflag:s22] =	ssyncadd.s32 $0xFFFFE000  }
0xf2: {  	_ =	swait.ge [sflag:s2], $0x3800  }
0xf3: {  	s4 =	rddreg [dreg:$0xd]  }
0xf4: {  	s20 =	rddreg [dreg:$0xc];
	s4 =	sadd.s32 $0x1, s4  }
0xf5: {  	p0 =	sne.s32 s4, s20  }
.Ltmp3:
0xf6: {  	_ = 	snop;
	(pc) =	sbr.rel @p0 .LBB2_1-.Ltmp3, $3  }
0xf7: {  	_ =	sdelay $0x1  }
0xf8: {  	[sflag:s2] =	ssyncset.done $0x0  }
0xf9: {  	[sflag:s2] =	ssyncadd.s32 $0xFFFFC800  }
0xfa: {  	_ =	sfence.sel $0x180000  }
0xfb: {  	[bflag:$0x0] =	sbarrier.arrive $0xFFFF  }
0xfc: {  	_ =	strace $0x90000047  }
0xfd: {  	s0 =	stileid.u32;
	[bflag:$0x2] =	sbarrier.arrive $0xFFFF  }
0xfe: {  	p0 =	sne.s32 s0, $0x0;
	s0 =	rddreg [dreg:$0x4]  }
0xff: {  	s0 =	sadd.s32 @!p0 $0x100000, s0  }
0x100: {  	[sflag:s0] =	ssyncadd.tile.s32 @!p0 $0x1;
	_ =	shalt  }
.Lfunc_end2:
_tile_overlayer_lowered:
.L_overlay_start_2:
0x101: {  	(tag) =	ssettag $0x2  }
0x102: {  	s0 =	rddreg [dreg:$0x0];
	s2 =	stileid.u32  }
0x103: {  	s1 =	rddreg [dreg:$0x1];
	p0 =	sne.s32 s2, $0x0  }
0x104: {  	s3 =	rddreg [dreg:$0x2];
	[bflag:$0x3] =	sbarrier.arrive $0xFFFF;
	s2 =	simm.s32 @!p0 $0x1C07  }
0x105: {  	[timem:s3], [sflag:s2] =	dma.local @!p0 [hbm:s0], s1  }
0x106: {  	s0 =	simm.s32 @!p0 $0x7  }
0x107: {  	_ =	swait.ge @!p0 [sflag:s0], s1  }
0x108: {  	s1 =	ssub.s32 @!p0 $0x0, s1;
	[sflag:s0] =	ssyncset.done @!p0 $0x0  }
0x109: {  	[sflag:s0] =	ssyncadd.s32 @!p0 s1  }
0x10a: {  	[bflag:$0x3] =	sbarrier.arrive $0xFFFF  }
0x10b: {  	_ =	shalt  }

</sc_bundles>
